<compile_context>
chip_gen: v7x
topology: tpu7x:2x2x1
jax: 0.10.2.dev20260603
libtpu: 0.0.44.dev20260713+nightly
codegen_flags: <defaults>
</compile_context>

<pallas_src>
import functools

import jax
import jax.numpy as jnp
from jax import lax
from jax.experimental import pallas as pl
from jax.experimental.pallas import tpu as pltpu
from jax.experimental.pallas import tpu_sc as plsc

_N = 262144
_EPS = 1e-7
_ROWS = _N // 128
_DROWS = 4 * _ROWS

_BLK = 512
_STEPS = _ROWS // _BLK
_C = 32
_NCH = _BLK // _C


def _cls_kernel(ts_ref, os_ref, out_ref, bce_ref, val_ref, pos_ref):
    i = pl.program_id(0)

    bce_acc = jnp.zeros((_C, 128), jnp.float32)
    val_acc = jnp.zeros((_C, 128), jnp.float32)
    pos_acc = jnp.zeros((_C, 128), jnp.float32)

    for k in range(_NCH):
        ts = ts_ref[k * _C:(k + 1) * _C, :]
        osc = os_ref[k * _C:(k + 1) * _C, :]
        valid = (ts != -1.0).astype(jnp.float32)
        pos = ts > 0.0
        o = jnp.clip(osc, _EPS, 1.0 - _EPS)
        bce = -jnp.log(jnp.where(pos, o, 1.0 - o))
        bce_acc += bce * valid
        val_acc += valid
        pos_acc += pos.astype(jnp.float32)

    @pl.when(i == 0)
    def _init():
        bce_ref[...] = bce_acc
        val_ref[...] = val_acc
        pos_ref[...] = pos_acc

    @pl.when(i > 0)
    def _accum():
        bce_ref[...] += bce_acc
        val_ref[...] += val_acc
        pos_ref[...] += pos_acc

    @pl.when(i == _STEPS - 1)
    def _finalize():
        out_ref[0, 0] = jnp.sum(bce_ref[...]) / jnp.maximum(jnp.sum(val_ref[...]), 1.0)
        out_ref[0, 1] = jnp.sum(pos_ref[...])


def _cls_and_count(ts2d, os2d):
    return pl.pallas_call(
        _cls_kernel,
        grid=(_STEPS,),
        in_specs=[
            pl.BlockSpec((_BLK, 128), lambda i: (i, 0)),
            pl.BlockSpec((_BLK, 128), lambda i: (i, 0)),
        ],
        out_specs=pl.BlockSpec((1, 2), lambda i: (0, 0), memory_space=pltpu.SMEM),
        out_shape=jax.ShapeDtypeStruct((1, 2), jnp.float32),
        scratch_shapes=[
            pltpu.VMEM((_C, 128), jnp.float32),
            pltpu.VMEM((_C, 128), jnp.float32),
            pltpu.VMEM((_C, 128), jnp.float32),
        ],
        compiler_params=pltpu.CompilerParams(
            dimension_semantics=("arbitrary",),
        ),
    )(ts2d, os2d)


_NW = 32
_QB_PER_W = _ROWS // _NW
_TS_SPAN = _QB_PER_W * 128
_D_SPAN = _QB_PER_W * 512


def _sc_reg_body(ts_hbm, td_hbm, od_hbm, out_hbm, ts_v, td_v, od_v, acc_v):
    wid = lax.axis_index("s") * 2 + lax.axis_index("c")
    a0 = wid * _TS_SPAN
    e0 = wid * _D_SPAN
    pltpu.sync_copy(ts_hbm.at[pl.ds(a0, _TS_SPAN)], ts_v)
    pltpu.sync_copy(td_hbm.at[pl.ds(e0, _D_SPAN)], td_v)
    pltpu.sync_copy(od_hbm.at[pl.ds(e0, _D_SPAN)], od_v)

    def body(qb, accs):
        ts_off = qb * 128
        d_off = qb * 512
        new = []
        for v in range(8):
            p_star = jnp.maximum(jnp.sign(ts_v[pl.ds(ts_off + 16 * v, 16)]), 0.0)
            s = None
            for c in range(4):
                o = d_off + 128 * c + 16 * v
                d = jnp.abs(od_v[pl.ds(o, 16)] - td_v[pl.ds(o, 16)])
                m = jnp.minimum(d, 1.0)
                sl1 = m * (d - 0.5 * m)
                s = sl1 if s is None else s + sl1
            new.append(accs[v] + p_star * s)
        return tuple(new)

    accs = lax.fori_loop(
        0, _QB_PER_W, body,
        tuple(jnp.zeros((16,), jnp.float32) for _ in range(8)))
    acc = accs[0]
    for v in range(1, 8):
        acc = acc + accs[v]
    acc_v[...] = acc
    pltpu.sync_copy(acc_v, out_hbm.at[wid])


@functools.partial(
    pl.kernel,
    mesh=plsc.VectorSubcoreMesh(core_axis_name="c", subcore_axis_name="s"),
    out_type=jax.ShapeDtypeStruct((_NW, 16), jnp.float32),
    scratch_types=[
        pltpu.VMEM((_TS_SPAN,), jnp.float32),
        pltpu.VMEM((_D_SPAN,), jnp.float32),
        pltpu.VMEM((_D_SPAN,), jnp.float32),
        pltpu.VMEM((16,), jnp.float32),
    ],
)
def _sc_reg_sum(ts_hbm, td_hbm, od_hbm, out_hbm, ts_v, td_v, od_v, acc_v):
    _sc_reg_body(ts_hbm, td_hbm, od_hbm, out_hbm, ts_v, td_v, od_v, acc_v)


def kernel(target_deltas, target_scores, output_deltas, output_scores):
    ts2d = target_scores.reshape(_ROWS, 128)
    os2d = output_scores.reshape(_ROWS, 128)
    ts1d = target_scores.reshape(_N)
    td1d = jnp.transpose(target_deltas.reshape(_ROWS, 128, 4), (0, 2, 1)).reshape(4 * _N)
    od1d = jnp.transpose(output_deltas.reshape(_ROWS, 128, 4), (0, 2, 1)).reshape(4 * _N)

    reg_parts = _sc_reg_sum(ts1d, td1d, od1d)
    cls_out = _cls_and_count(ts2d, os2d)

    cls_loss = cls_out[0, 0]
    p_cnt = cls_out[0, 1]
    reg_loss = 10.0 * jnp.sum(reg_parts) / jnp.maximum(_EPS, p_cnt)
    return cls_loss + reg_loss

# --- scband reference (transcript-rebuilt; emitter-appended) ---
"""Pipeline reference for scband-rpn-10771777979040 (READ-ONLY COPY).

The authoritative reference and input builder live on the scoring server;
editing this copy changes nothing except your own understanding.
"""

import jax, jax.numpy as jnp
import numpy as np

N = 262144
EPS = 1e-7

def setup_inputs(seed: int = 0) -> dict:
    key = jax.random.key(seed)
    k1, k2, k3, k4 = jax.random.split(key, 4)
    target_deltas = jax.random.normal(k1, (1, N, 4), dtype=jnp.float32)
    # target_scores in {-1 (ignore), 0 (negative), 1 (positive)}
    target_scores = jax.random.randint(k2, (1, N), -1, 2).astype(jnp.float32)
    output_deltas = jax.random.normal(k3, (1, N, 4), dtype=jnp.float32)
    # output_scores are probabilities in (0, 1)
    output_scores = jax.random.uniform(k4, (1, N), dtype=jnp.float32, minval=EPS, maxval=1.0 - EPS)
    return {
        "target_deltas": target_deltas,
        "target_scores": target_scores,
        "output_deltas": output_deltas,
        "output_scores": output_scores,
    }

def reference(target_deltas, target_scores, output_deltas, output_scores):
    # Faithful translation of RPN.call: reshape outputs, then
    # classification_loss() + regression_loss().
    # where/gather_nd over valid anchors is expressed as equivalent masked
    # reductions (same math, jit-safe static shapes).
    od = jnp.reshape(output_deltas, (1, -1, 4))
    osc = jnp.reshape(output_scores, (1, -1))

    # --- classification loss: BCE over anchors with target_scores != -1 ---
    valid = (target_scores != -1.0).astype(jnp.float32)
    o = jnp.clip(osc, EPS, 1.0 - EPS)  # keras.backend.binary_crossentropy clips
    bce = -(target_scores * jnp.log(o) + (1.0 - target_scores) * jnp.log(1.0 - o))
    cls_loss = jnp.sum(bce * valid) / jnp.maximum(jnp.sum(valid), 1.0)

    # --- regression loss: smooth L1 (anchored=True) over positive anchors ---
    diff = jnp.abs(od - target_deltas)
    sl1 = jnp.where(diff < 1.0, 0.5 * diff * diff, diff - 0.5)
    a_y = jnp.sum(sl1, axis=-1)  # anchored=True: sum over the 4 delta coords
    # p_star_i = 1 where gathered target_scores > 0; targets with -1 are
    # automatically excluded since -1 < 0.
    p_star = (target_scores > 0.0).astype(jnp.float32)
    weight = 10.0
    reg_loss = weight * (jnp.sum(p_star * a_y) / jnp.maximum(EPS, jnp.sum(p_star)))

    return cls_loss + reg_loss

if __name__ == "__main__":
    import jax
    _d = setup_inputs()
    print(jax.jit(kernel)(*tuple(_d.values())))

</pallas_src>

<mosaic_0001>
#map = affine_map<(d0, d1) -> (0)>
#map1 = affine_map<(d0, d1) -> (0, 0)>
module attributes {stable_mosaic.version = 14 : i64} {
  func.func @_sc_reg_sum(%arg0: i32, %arg1: i32, %arg2: memref<262144xf32, #tpu.memory_space<hbm>>, %arg3: memref<1048576xf32, #tpu.memory_space<hbm>>, %arg4: memref<1048576xf32, #tpu.memory_space<hbm>>, %arg5: memref<32x16xf32, #tpu.memory_space<hbm>>, %arg6: memref<8192xf32, #tpu.memory_space<vmem>>, %arg7: memref<32768xf32, #tpu.memory_space<vmem>>, %arg8: memref<32768xf32, #tpu.memory_space<vmem>>, %arg9: memref<16xf32, #tpu.memory_space<vmem>>) attributes {dimension_semantics = [#tpu.dimension_semantics<core_parallel>, #tpu.dimension_semantics<subcore_parallel>], iteration_bounds = array<i64: 2, 16>, scalar_prefetch = 0 : i64, scratch_operands = 4 : i64, tpu.core_type = #tpu.core_type<sc_vector_subcore>, window_params = [{transform_indices = #map}, {transform_indices = #map}, {transform_indices = #map}, {transform_indices = #map1}]} {
    %mul3A = arith.constant 2 : i32
    %mul3A_0 = arith.muli %arg1, %mul3A : i32
    %add3A = arith.addi %mul3A_0, %arg0 : i32
    %mul3A_1 = arith.constant 8192 : i32
    %mul3A_2 = arith.muli %add3A, %mul3A_1 : i32
    %mul3A_3 = arith.constant 32768 : i32
    %mul3A_4 = arith.muli %add3A, %mul3A_3 : i32
    "tpu.region"() ({
      %run_scoped3A = tpu.sem_alloc : memref<!tpu.dma_semaphore, #tpu.memory_space<semaphore_mem>>
      %dma_start3A = tpu.memref_slice %arg2[%mul3A_2] : memref<262144xf32, #tpu.memory_space<hbm>> -> memref<8192xf32, #tpu.memory_space<hbm>>
      %dma_start3A_35 = tpu.memref_slice %arg2[%mul3A_2] : memref<262144xf32, #tpu.memory_space<hbm>> -> memref<8192xf32, #tpu.memory_space<hbm>>
      tpu.enqueue_dma source(%dma_start3A_35 : memref<8192xf32, #tpu.memory_space<hbm>>) target(%arg6 : memref<8192xf32, #tpu.memory_space<vmem>>) target_semaphore(%run_scoped3A : memref<!tpu.dma_semaphore, #tpu.memory_space<semaphore_mem>>)
      %dma_wait3A = tpu.memref_slice %arg2[%mul3A_2] : memref<262144xf32, #tpu.memory_space<hbm>> -> memref<8192xf32, #tpu.memory_space<hbm>>
      %dma_wait3A_36 = tpu.memref_slice %arg2[%mul3A_2] : memref<262144xf32, #tpu.memory_space<hbm>> -> memref<8192xf32, #tpu.memory_space<hbm>>
      tpu.wait_dma2 semaphore(%run_scoped3A : memref<!tpu.dma_semaphore, #tpu.memory_space<semaphore_mem>>) src(%dma_wait3A_36 : memref<8192xf32, #tpu.memory_space<hbm>>) dst(%arg6 : memref<8192xf32, #tpu.memory_space<vmem>>)
      tpu.yield
    }) : () -> ()
    "tpu.region"() ({
      %run_scoped3A = tpu.sem_alloc : memref<!tpu.dma_semaphore, #tpu.memory_space<semaphore_mem>>
      %dma_start3A = tpu.memref_slice %arg3[%mul3A_4] : memref<1048576xf32, #tpu.memory_space<hbm>> -> memref<32768xf32, #tpu.memory_space<hbm>>
      %dma_start3A_35 = tpu.memref_slice %arg3[%mul3A_4] : memref<1048576xf32, #tpu.memory_space<hbm>> -> memref<32768xf32, #tpu.memory_space<hbm>>
      tpu.enqueue_dma source(%dma_start3A_35 : memref<32768xf32, #tpu.memory_space<hbm>>) target(%arg7 : memref<32768xf32, #tpu.memory_space<vmem>>) target_semaphore(%run_scoped3A : memref<!tpu.dma_semaphore, #tpu.memory_space<semaphore_mem>>)
      %dma_wait3A = tpu.memref_slice %arg3[%mul3A_4] : memref<1048576xf32, #tpu.memory_space<hbm>> -> memref<32768xf32, #tpu.memory_space<hbm>>
      %dma_wait3A_36 = tpu.memref_slice %arg3[%mul3A_4] : memref<1048576xf32, #tpu.memory_space<hbm>> -> memref<32768xf32, #tpu.memory_space<hbm>>
      tpu.wait_dma2 semaphore(%run_scoped3A : memref<!tpu.dma_semaphore, #tpu.memory_space<semaphore_mem>>) src(%dma_wait3A_36 : memref<32768xf32, #tpu.memory_space<hbm>>) dst(%arg7 : memref<32768xf32, #tpu.memory_space<vmem>>)
      tpu.yield
    }) : () -> ()
    "tpu.region"() ({
      %run_scoped3A = tpu.sem_alloc : memref<!tpu.dma_semaphore, #tpu.memory_space<semaphore_mem>>
      %dma_start3A = tpu.memref_slice %arg4[%mul3A_4] : memref<1048576xf32, #tpu.memory_space<hbm>> -> memref<32768xf32, #tpu.memory_space<hbm>>
      %dma_start3A_35 = tpu.memref_slice %arg4[%mul3A_4] : memref<1048576xf32, #tpu.memory_space<hbm>> -> memref<32768xf32, #tpu.memory_space<hbm>>
      tpu.enqueue_dma source(%dma_start3A_35 : memref<32768xf32, #tpu.memory_space<hbm>>) target(%arg8 : memref<32768xf32, #tpu.memory_space<vmem>>) target_semaphore(%run_scoped3A : memref<!tpu.dma_semaphore, #tpu.memory_space<semaphore_mem>>)
      %dma_wait3A = tpu.memref_slice %arg4[%mul3A_4] : memref<1048576xf32, #tpu.memory_space<hbm>> -> memref<32768xf32, #tpu.memory_space<hbm>>
      %dma_wait3A_36 = tpu.memref_slice %arg4[%mul3A_4] : memref<1048576xf32, #tpu.memory_space<hbm>> -> memref<32768xf32, #tpu.memory_space<hbm>>
      tpu.wait_dma2 semaphore(%run_scoped3A : memref<!tpu.dma_semaphore, #tpu.memory_space<semaphore_mem>>) src(%dma_wait3A_36 : memref<32768xf32, #tpu.memory_space<hbm>>) dst(%arg8 : memref<32768xf32, #tpu.memory_space<vmem>>)
      tpu.yield
    }) : () -> ()
    %broadcast_in_dim3A = arith.constant 0.000000e+00 : f32
    %broadcast_in_dim3A_5 = vector.broadcast %broadcast_in_dim3A : f32 to vector<16xf32>
    %broadcast_in_dim3A_6 = arith.constant 0.000000e+00 : f32
    %broadcast_in_dim3A_7 = vector.broadcast %broadcast_in_dim3A_6 : f32 to vector<16xf32>
    %broadcast_in_dim3A_8 = arith.constant 0.000000e+00 : f32
    %broadcast_in_dim3A_9 = vector.broadcast %broadcast_in_dim3A_8 : f32 to vector<16xf32>
    %broadcast_in_dim3A_10 = arith.constant 0.000000e+00 : f32
    %broadcast_in_dim3A_11 = vector.broadcast %broadcast_in_dim3A_10 : f32 to vector<16xf32>
    %broadcast_in_dim3A_12 = arith.constant 0.000000e+00 : f32
    %broadcast_in_dim3A_13 = vector.broadcast %broadcast_in_dim3A_12 : f32 to vector<16xf32>
    %broadcast_in_dim3A_14 = arith.constant 0.000000e+00 : f32
    %broadcast_in_dim3A_15 = vector.broadcast %broadcast_in_dim3A_14 : f32 to vector<16xf32>
    %broadcast_in_dim3A_16 = arith.constant 0.000000e+00 : f32
    %broadcast_in_dim3A_17 = vector.broadcast %broadcast_in_dim3A_16 : f32 to vector<16xf32>
    %broadcast_in_dim3A_18 = arith.constant 0.000000e+00 : f32
    %broadcast_in_dim3A_19 = vector.broadcast %broadcast_in_dim3A_18 : f32 to vector<16xf32>
    %scan3A = arith.constant 0 : i32
    %scan3A_20 = arith.constant 64 : i32
    %scan3A_21 = arith.addi %scan3A, %scan3A_20 : i32
    %scan3A_22 = arith.constant 1 : i32
    %scan3A_23:8 = scf.for %scan3A_35 = %scan3A to %scan3A_21 step %scan3A_22 iter_args(%scan3A_36 = %broadcast_in_dim3A_5, %scan3A_37 = %broadcast_in_dim3A_7, %scan3A_38 = %broadcast_in_dim3A_9, %scan3A_39 = %broadcast_in_dim3A_11, %scan3A_40 = %broadcast_in_dim3A_13, %scan3A_41 = %broadcast_in_dim3A_15, %scan3A_42 = %broadcast_in_dim3A_17, %scan3A_43 = %broadcast_in_dim3A_19) -> (vector<16xf32>, vector<16xf32>, vector<16xf32>, vector<16xf32>, vector<16xf32>, vector<16xf32>, vector<16xf32>, vector<16xf32>)  : i32 {
      %mul3A_44 = arith.constant 128 : i32
      %mul3A_45 = arith.muli %scan3A_35, %mul3A_44 : i32
      %mul3A_46 = arith.constant 512 : i32
      %mul3A_47 = arith.muli %scan3A_35, %mul3A_46 : i32
      %add3A_48 = arith.constant 0 : i32
      %add3A_49 = arith.addi %mul3A_45, %add3A_48 : i32
      %get3A = arith.index_cast %add3A_49 : i32 to index
      %get3A_50 = tpu.vector_load %arg6[%get3A] {strides = array<i32>} : memref<8192xf32, #tpu.memory_space<vmem>>, vector<16xf32>,
      %get3A_51 = vector.shape_cast %get3A_50 : vector<16xf32> to vector<16xf32>
      %sign3A = tpu.bitcast %get3A_51 : vector<16xf32> -> vector<16xi32>
      %sign3A_52 = arith.constant -2147483648 : i32
      %sign3A_53 = vector.broadcast %sign3A_52 : i32 to vector<16xi32>
      %sign3A_54 = arith.andi %sign3A, %sign3A_53 : vector<16xi32>
      %sign3A_55 = arith.constant 1065353216 : i32
      %sign3A_56 = vector.broadcast %sign3A_55 : i32 to vector<16xi32>
      %sign3A_57 = arith.ori %sign3A_56, %sign3A_54 : vector<16xi32>
      %sign3A_58 = tpu.bitcast %sign3A_57 : vector<16xi32> -> vector<16xf32>
      %sign3A_59 = math.absf %get3A_51 : vector<16xf32>
      %sign3A_60 = arith.constant 0.000000e+00 : f32
      %sign3A_61 = vector.broadcast %sign3A_60 : f32 to vector<16xf32>
      %sign3A_62 = arith.cmpf ogt, %sign3A_59, %sign3A_61 : vector<16xf32>
      %sign3A_63 = arith.select %sign3A_62, %sign3A_58, %get3A_51 : vector<16xi1>, vector<16xf32>
      %max3A = arith.constant 0.000000e+00 : f32
      %max3A_64 = vector.broadcast %max3A : f32 to vector<16xf32>
      %max3A_65 = arith.maximumf %sign3A_63, %max3A_64 : vector<16xf32>
      %add3A_66 = arith.constant 0 : i32
      %add3A_67 = arith.addi %mul3A_47, %add3A_66 : i32
      %add3A_68 = arith.constant 0 : i32
      %add3A_69 = arith.addi %add3A_67, %add3A_68 : i32
      %get3A_70 = arith.index_cast %add3A_69 : i32 to index
      %get3A_71 = tpu.vector_load %arg8[%get3A_70] {strides = array<i32>} : memref<32768xf32, #tpu.memory_space<vmem>>, vector<16xf32>,
      %get3A_72 = vector.shape_cast %get3A_71 : vector<16xf32> to vector<16xf32>
      %get3A_73 = arith.index_cast %add3A_69 : i32 to index
      %get3A_74 = tpu.vector_load %arg7[%get3A_73] {strides = array<i32>} : memref<32768xf32, #tpu.memory_space<vmem>>, vector<16xf32>,
      %get3A_75 = vector.shape_cast %get3A_74 : vector<16xf32> to vector<16xf32>
      %sub3A = arith.subf %get3A_72, %get3A_75 : vector<16xf32>
      %abs3A = math.absf %sub3A : vector<16xf32>
      %min3A = arith.constant 1.000000e+00 : f32
      %min3A_76 = vector.broadcast %min3A : f32 to vector<16xf32>
      %min3A_77 = arith.minimumf %abs3A, %min3A_76 : vector<16xf32>
      %mul3A_78 = arith.constant 5.000000e-01 : f32
      %mul3A_79 = vector.broadcast %mul3A_78 : f32 to vector<16xf32>
      %mul3A_80 = arith.mulf %mul3A_79, %min3A_77 : vector<16xf32>
      %sub3A_81 = arith.subf %abs3A, %mul3A_80 : vector<16xf32>
      %mul3A_82 = arith.mulf %min3A_77, %sub3A_81 : vector<16xf32>
      %add3A_83 = arith.constant 128 : i32
      %add3A_84 = arith.addi %mul3A_47, %add3A_83 : i32
      %add3A_85 = arith.constant 0 : i32
      %add3A_86 = arith.addi %add3A_84, %add3A_85 : i32
      %get3A_87 = arith.index_cast %add3A_86 : i32 to index
      %get3A_88 = tpu.vector_load %arg8[%get3A_87] {strides = array<i32>} : memref<32768xf32, #tpu.memory_space<vmem>>, vector<16xf32>,
      %get3A_89 = vector.shape_cast %get3A_88 : vector<16xf32> to vector<16xf32>
      %get3A_90 = arith.index_cast %add3A_86 : i32 to index
      %get3A_91 = tpu.vector_load %arg7[%get3A_90] {strides = array<i32>} : memref<32768xf32, #tpu.memory_space<vmem>>, vector<16xf32>,
      %get3A_92 = vector.shape_cast %get3A_91 : vector<16xf32> to vector<16xf32>
      %sub3A_93 = arith.subf %get3A_89, %get3A_92 : vector<16xf32>
      %abs3A_94 = math.absf %sub3A_93 : vector<16xf32>
      %min3A_95 = arith.constant 1.000000e+00 : f32
      %min3A_96 = vector.broadcast %min3A_95 : f32 to vector<16xf32>
      %min3A_97 = arith.minimumf %abs3A_94, %min3A_96 : vector<16xf32>
      %mul3A_98 = arith.constant 5.000000e-01 : f32
      %mul3A_99 = vector.broadcast %mul3A_98 : f32 to vector<16xf32>
      %mul3A_100 = arith.mulf %mul3A_99, %min3A_97 : vector<16xf32>
      %sub3A_101 = arith.subf %abs3A_94, %mul3A_100 : vector<16xf32>
      %mul3A_102 = arith.mulf %min3A_97, %sub3A_101 : vector<16xf32>
      %add3A_103 = arith.addf %mul3A_82, %mul3A_102 : vector<16xf32>
      %add3A_104 = arith.constant 256 : i32
      %add3A_105 = arith.addi %mul3A_47, %add3A_104 : i32
      %add3A_106 = arith.constant 0 : i32
      %add3A_107 = arith.addi %add3A_105, %add3A_106 : i32
      %get3A_108 = arith.index_cast %add3A_107 : i32 to index
      %get3A_109 = tpu.vector_load %arg8[%get3A_108] {strides = array<i32>} : memref<32768xf32, #tpu.memory_space<vmem>>, vector<16xf32>,
      %get3A_110 = vector.shape_cast %get3A_109 : vector<16xf32> to vector<16xf32>
      %get3A_111 = arith.index_cast %add3A_107 : i32 to index
      %get3A_112 = tpu.vector_load %arg7[%get3A_111] {strides = array<i32>} : memref<32768xf32, #tpu.memory_space<vmem>>, vector<16xf32>,
      %get3A_113 = vector.shape_cast %get3A_112 : vector<16xf32> to vector<16xf32>
      %sub3A_114 = arith.subf %get3A_110, %get3A_113 : vector<16xf32>
      %abs3A_115 = math.absf %sub3A_114 : vector<16xf32>
      %min3A_116 = arith.constant 1.000000e+00 : f32
      %min3A_117 = vector.broadcast %min3A_116 : f32 to vector<16xf32>
      %min3A_118 = arith.minimumf %abs3A_115, %min3A_117 : vector<16xf32>
      %mul3A_119 = arith.constant 5.000000e-01 : f32
      %mul3A_120 = vector.broadcast %mul3A_119 : f32 to vector<16xf32>
      %mul3A_121 = arith.mulf %mul3A_120, %min3A_118 : vector<16xf32>
      %sub3A_122 = arith.subf %abs3A_115, %mul3A_121 : vector<16xf32>
      %mul3A_123 = arith.mulf %min3A_118, %sub3A_122 : vector<16xf32>
      %add3A_124 = arith.addf %add3A_103, %mul3A_123 : vector<16xf32>
      %add3A_125 = arith.constant 384 : i32
      %add3A_126 = arith.addi %mul3A_47, %add3A_125 : i32
      %add3A_127 = arith.constant 0 : i32
      %add3A_128 = arith.addi %add3A_126, %add3A_127 : i32
      %get3A_129 = arith.index_cast %add3A_128 : i32 to index
      %get3A_130 = tpu.vector_load %arg8[%get3A_129] {strides = array<i32>} : memref<32768xf32, #tpu.memory_space<vmem>>, vector<16xf32>,
      %get3A_131 = vector.shape_cast %get3A_130 : vector<16xf32> to vector<16xf32>
      %get3A_132 = arith.index_cast %add3A_128 : i32 to index
      %get3A_133 = tpu.vector_load %arg7[%get3A_132] {strides = array<i32>} : memref<32768xf32, #tpu.memory_space<vmem>>, vector<16xf32>,
      %get3A_134 = vector.shape_cast %get3A_133 : vector<16xf32> to vector<16xf32>
      %sub3A_135 = arith.subf %get3A_131, %get3A_134 : vector<16xf32>
      %abs3A_136 = math.absf %sub3A_135 : vector<16xf32>
      %min3A_137 = arith.constant 1.000000e+00 : f32
      %min3A_138 = vector.broadcast %min3A_137 : f32 to vector<16xf32>
      %min3A_139 = arith.minimumf %abs3A_136, %min3A_138 : vector<16xf32>
      %mul3A_140 = arith.constant 5.000000e-01 : f32
      %mul3A_141 = vector.broadcast %mul3A_140 : f32 to vector<16xf32>
      %mul3A_142 = arith.mulf %mul3A_141, %min3A_139 : vector<16xf32>
      %sub3A_143 = arith.subf %abs3A_136, %mul3A_142 : vector<16xf32>
      %mul3A_144 = arith.mulf %min3A_139, %sub3A_143 : vector<16xf32>
      %add3A_145 = arith.addf %add3A_124, %mul3A_144 : vector<16xf32>
      %mul3A_146 = arith.mulf %max3A_65, %add3A_145 : vector<16xf32>
      %add3A_147 = arith.addf %scan3A_36, %mul3A_146 : vector<16xf32>
      %add3A_148 = arith.constant 16 : i32
      %add3A_149 = arith.addi %mul3A_45, %add3A_148 : i32
      %get3A_150 = arith.index_cast %add3A_149 : i32 to index
      %get3A_151 = tpu.vector_load %arg6[%get3A_150] {strides = array<i32>} : memref<8192xf32, #tpu.memory_space<vmem>>, vector<16xf32>,
      %get3A_152 = vector.shape_cast %get3A_151 : vector<16xf32> to vector<16xf32>
      %sign3A_153 = tpu.bitcast %get3A_152 : vector<16xf32> -> vector<16xi32>
      %sign3A_154 = arith.constant -2147483648 : i32
      %sign3A_155 = vector.broadcast %sign3A_154 : i32 to vector<16xi32>
      %sign3A_156 = arith.andi %sign3A_153, %sign3A_155 : vector<16xi32>
      %sign3A_157 = arith.constant 1065353216 : i32
      %sign3A_158 = vector.broadcast %sign3A_157 : i32 to vector<16xi32>
      %sign3A_159 = arith.ori %sign3A_158, %sign3A_156 : vector<16xi32>
      %sign3A_160 = tpu.bitcast %sign3A_159 : vector<16xi32> -> vector<16xf32>
      %sign3A_161 = math.absf %get3A_152 : vector<16xf32>
      %sign3A_162 = arith.constant 0.000000e+00 : f32
      %sign3A_163 = vector.broadcast %sign3A_162 : f32 to vector<16xf32>
      %sign3A_164 = arith.cmpf ogt, %sign3A_161, %sign3A_163 : vector<16xf32>
      %sign3A_165 = arith.select %sign3A_164, %sign3A_160, %get3A_152 : vector<16xi1>, vector<16xf32>
      %max3A_166 = arith.constant 0.000000e+00 : f32
      %max3A_167 = vector.broadcast %max3A_166 : f32 to vector<16xf32>
      %max3A_168 = arith.maximumf %sign3A_165, %max3A_167 : vector<16xf32>
      %add3A_169 = arith.constant 0 : i32
      %add3A_170 = arith.addi %mul3A_47, %add3A_169 : i32
      %add3A_171 = arith.constant 16 : i32
      %add3A_172 = arith.addi %add3A_170, %add3A_171 : i32
      %get3A_173 = arith.index_cast %add3A_172 : i32 to index
      %get3A_174 = tpu.vector_load %arg8[%get3A_173] {strides = array<i32>} : memref<32768xf32, #tpu.memory_space<vmem>>, vector<16xf32>,
      %get3A_175 = vector.shape_cast %get3A_174 : vector<16xf32> to vector<16xf32>
      %get3A_176 = arith.index_cast %add3A_172 : i32 to index
      %get3A_177 = tpu.vector_load %arg7[%get3A_176] {strides = array<i32>} : memref<32768xf32, #tpu.memory_space<vmem>>, vector<16xf32>,
      %get3A_178 = vector.shape_cast %get3A_177 : vector<16xf32> to vector<16xf32>
      %sub3A_179 = arith.subf %get3A_175, %get3A_178 : vector<16xf32>
      %abs3A_180 = math.absf %sub3A_179 : vector<16xf32>
      %min3A_181 = arith.constant 1.000000e+00 : f32
      %min3A_182 = vector.broadcast %min3A_181 : f32 to vector<16xf32>
      %min3A_183 = arith.minimumf %abs3A_180, %min3A_182 : vector<16xf32>
      %mul3A_184 = arith.constant 5.000000e-01 : f32
      %mul3A_185 = vector.broadcast %mul3A_184 : f32 to vector<16xf32>
      %mul3A_186 = arith.mulf %mul3A_185, %min3A_183 : vector<16xf32>
      %sub3A_187 = arith.subf %abs3A_180, %mul3A_186 : vector<16xf32>
      %mul3A_188 = arith.mulf %min3A_183, %sub3A_187 : vector<16xf32>
      %add3A_189 = arith.constant 128 : i32
      %add3A_190 = arith.addi %mul3A_47, %add3A_189 : i32
      %add3A_191 = arith.constant 16 : i32
      %add3A_192 = arith.addi %add3A_190, %add3A_191 : i32
      %get3A_193 = arith.index_cast %add3A_192 : i32 to index
      %get3A_194 = tpu.vector_load %arg8[%get3A_193] {strides = array<i32>} : memref<32768xf32, #tpu.memory_space<vmem>>, vector<16xf32>,
      %get3A_195 = vector.shape_cast %get3A_194 : vector<16xf32> to vector<16xf32>
      %get3A_196 = arith.index_cast %add3A_192 : i32 to index
      %get3A_197 = tpu.vector_load %arg7[%get3A_196] {strides = array<i32>} : memref<32768xf32, #tpu.memory_space<vmem>>, vector<16xf32>,
      %get3A_198 = vector.shape_cast %get3A_197 : vector<16xf32> to vector<16xf32>
      %sub3A_199 = arith.subf %get3A_195, %get3A_198 : vector<16xf32>
      %abs3A_200 = math.absf %sub3A_199 : vector<16xf32>
      %min3A_201 = arith.constant 1.000000e+00 : f32
      %min3A_202 = vector.broadcast %min3A_201 : f32 to vector<16xf32>
      %min3A_203 = arith.minimumf %abs3A_200, %min3A_202 : vector<16xf32>
      %mul3A_204 = arith.constant 5.000000e-01 : f32
      %mul3A_205 = vector.broadcast %mul3A_204 : f32 to vector<16xf32>
      %mul3A_206 = arith.mulf %mul3A_205, %min3A_203 : vector<16xf32>
      %sub3A_207 = arith.subf %abs3A_200, %mul3A_206 : vector<16xf32>
      %mul3A_208 = arith.mulf %min3A_203, %sub3A_207 : vector<16xf32>
      %add3A_209 = arith.addf %mul3A_188, %mul3A_208 : vector<16xf32>
      %add3A_210 = arith.constant 256 : i32
      %add3A_211 = arith.addi %mul3A_47, %add3A_210 : i32
      %add3A_212 = arith.constant 16 : i32
      %add3A_213 = arith.addi %add3A_211, %add3A_212 : i32
      %get3A_214 = arith.index_cast %add3A_213 : i32 to index
      %get3A_215 = tpu.vector_load %arg8[%get3A_214] {strides = array<i32>} : memref<32768xf32, #tpu.memory_space<vmem>>, vector<16xf32>,
      %get3A_216 = vector.shape_cast %get3A_215 : vector<16xf32> to vector<16xf32>
      %get3A_217 = arith.index_cast %add3A_213 : i32 to index
      %get3A_218 = tpu.vector_load %arg7[%get3A_217] {strides = array<i32>} : memref<32768xf32, #tpu.memory_space<vmem>>, vector<16xf32>,
      %get3A_219 = vector.shape_cast %get3A_218 : vector<16xf32> to vector<16xf32>
      %sub3A_220 = arith.subf %get3A_216, %get3A_219 : vector<16xf32>
      %abs3A_221 = math.absf %sub3A_220 : vector<16xf32>
      %min3A_222 = arith.constant 1.000000e+00 : f32
      %min3A_223 = vector.broadcast %min3A_222 : f32 to vector<16xf32>
      %min3A_224 = arith.minimumf %abs3A_221, %min3A_223 : vector<16xf32>
      %mul3A_225 = arith.constant 5.000000e-01 : f32
      %mul3A_226 = vector.broadcast %mul3A_225 : f32 to vector<16xf32>
      %mul3A_227 = arith.mulf %mul3A_226, %min3A_224 : vector<16xf32>
      %sub3A_228 = arith.subf %abs3A_221, %mul3A_227 : vector<16xf32>
      %mul3A_229 = arith.mulf %min3A_224, %sub3A_228 : vector<16xf32>
      %add3A_230 = arith.addf %add3A_209, %mul3A_229 : vector<16xf32>
      %add3A_231 = arith.constant 384 : i32
      %add3A_232 = arith.addi %mul3A_47, %add3A_231 : i32
      %add3A_233 = arith.constant 16 : i32
      %add3A_234 = arith.addi %add3A_232, %add3A_233 : i32
      %get3A_235 = arith.index_cast %add3A_234 : i32 to index
      %get3A_236 = tpu.vector_load %arg8[%get3A_235] {strides = array<i32>} : memref<32768xf32, #tpu.memory_space<vmem>>, vector<16xf32>,
      %get3A_237 = vector.shape_cast %get3A_236 : vector<16xf32> to vector<16xf32>
      %get3A_238 = arith.index_cast %add3A_234 : i32 to index
      %get3A_239 = tpu.vector_load %arg7[%get3A_238] {strides = array<i32>} : memref<32768xf32, #tpu.memory_space<vmem>>, vector<16xf32>,
      %get3A_240 = vector.shape_cast %get3A_239 : vector<16xf32> to vector<16xf32>
      %sub3A_241 = arith.subf %get3A_237, %get3A_240 : vector<16xf32>
      %abs3A_242 = math.absf %sub3A_241 : vector<16xf32>
      %min3A_243 = arith.constant 1.000000e+00 : f32
      %min3A_244 = vector.broadcast %min3A_243 : f32 to vector<16xf32>
      %min3A_245 = arith.minimumf %abs3A_242, %min3A_244 : vector<16xf32>
      %mul3A_246 = arith.constant 5.000000e-01 : f32
      %mul3A_247 = vector.broadcast %mul3A_246 : f32 to vector<16xf32>
      %mul3A_248 = arith.mulf %mul3A_247, %min3A_245 : vector<16xf32>
      %sub3A_249 = arith.subf %abs3A_242, %mul3A_248 : vector<16xf32>
      %mul3A_250 = arith.mulf %min3A_245, %sub3A_249 : vector<16xf32>
      %add3A_251 = arith.addf %add3A_230, %mul3A_250 : vector<16xf32>
      %mul3A_252 = arith.mulf %max3A_168, %add3A_251 : vector<16xf32>
      %add3A_253 = arith.addf %scan3A_37, %mul3A_252 : vector<16xf32>
      %add3A_254 = arith.constant 32 : i32
      %add3A_255 = arith.addi %mul3A_45, %add3A_254 : i32
      %get3A_256 = arith.index_cast %add3A_255 : i32 to index
      %get3A_257 = tpu.vector_load %arg6[%get3A_256] {strides = array<i32>} : memref<8192xf32, #tpu.memory_space<vmem>>, vector<16xf32>,
      %get3A_258 = vector.shape_cast %get3A_257 : vector<16xf32> to vector<16xf32>
      %sign3A_259 = tpu.bitcast %get3A_258 : vector<16xf32> -> vector<16xi32>
      %sign3A_260 = arith.constant -2147483648 : i32
      %sign3A_261 = vector.broadcast %sign3A_260 : i32 to vector<16xi32>
      %sign3A_262 = arith.andi %sign3A_259, %sign3A_261 : vector<16xi32>
      %sign3A_263 = arith.constant 1065353216 : i32
      %sign3A_264 = vector.broadcast %sign3A_263 : i32 to vector<16xi32>
      %sign3A_265 = arith.ori %sign3A_264, %sign3A_262 : vector<16xi32>
      %sign3A_266 = tpu.bitcast %sign3A_265 : vector<16xi32> -> vector<16xf32>
      %sign3A_267 = math.absf %get3A_258 : vector<16xf32>
      %sign3A_268 = arith.constant 0.000000e+00 : f32
      %sign3A_269 = vector.broadcast %sign3A_268 : f32 to vector<16xf32>
      %sign3A_270 = arith.cmpf ogt, %sign3A_267, %sign3A_269 : vector<16xf32>
      %sign3A_271 = arith.select %sign3A_270, %sign3A_266, %get3A_258 : vector<16xi1>, vector<16xf32>
      %max3A_272 = arith.constant 0.000000e+00 : f32
      %max3A_273 = vector.broadcast %max3A_272 : f32 to vector<16xf32>
      %max3A_274 = arith.maximumf %sign3A_271, %max3A_273 : vector<16xf32>
      %add3A_275 = arith.constant 0 : i32
      %add3A_276 = arith.addi %mul3A_47, %add3A_275 : i32
      %add3A_277 = arith.constant 32 : i32
      %add3A_278 = arith.addi %add3A_276, %add3A_277 : i32
      %get3A_279 = arith.index_cast %add3A_278 : i32 to index
      %get3A_280 = tpu.vector_load %arg8[%get3A_279] {strides = array<i32>} : memref<32768xf32, #tpu.memory_space<vmem>>, vector<16xf32>,
      %get3A_281 = vector.shape_cast %get3A_280 : vector<16xf32> to vector<16xf32>
      %get3A_282 = arith.index_cast %add3A_278 : i32 to index
      %get3A_283 = tpu.vector_load %arg7[%get3A_282] {strides = array<i32>} : memref<32768xf32, #tpu.memory_space<vmem>>, vector<16xf32>,
      %get3A_284 = vector.shape_cast %get3A_283 : vector<16xf32> to vector<16xf32>
      %sub3A_285 = arith.subf %get3A_281, %get3A_284 : vector<16xf32>
      %abs3A_286 = math.absf %sub3A_285 : vector<16xf32>
      %min3A_287 = arith.constant 1.000000e+00 : f32
      %min3A_288 = vector.broadcast %min3A_287 : f32 to vector<16xf32>
      %min3A_289 = arith.minimumf %abs3A_286, %min3A_288 : vector<16xf32>
      %mul3A_290 = arith.constant 5.000000e-01 : f32
      %mul3A_291 = vector.broadcast %mul3A_290 : f32 to vector<16xf32>
      %mul3A_292 = arith.mulf %mul3A_291, %min3A_289 : vector<16xf32>
      %sub3A_293 = arith.subf %abs3A_286, %mul3A_292 : vector<16xf32>
      %mul3A_294 = arith.mulf %min3A_289, %sub3A_293 : vector<16xf32>
      %add3A_295 = arith.constant 128 : i32
      %add3A_296 = arith.addi %mul3A_47, %add3A_295 : i32
      %add3A_297 = arith.constant 32 : i32
      %add3A_298 = arith.addi %add3A_296, %add3A_297 : i32
      %get3A_299 = arith.index_cast %add3A_298 : i32 to index
      %get3A_300 = tpu.vector_load %arg8[%get3A_299] {strides = array<i32>} : memref<32768xf32, #tpu.memory_space<vmem>>, vector<16xf32>,
      %get3A_301 = vector.shape_cast %get3A_300 : vector<16xf32> to vector<16xf32>
      %get3A_302 = arith.index_cast %add3A_298 : i32 to index
      %get3A_303 = tpu.vector_load %arg7[%get3A_302] {strides = array<i32>} : memref<32768xf32, #tpu.memory_space<vmem>>, vector<16xf32>,
      %get3A_304 = vector.shape_cast %get3A_303 : vector<16xf32> to vector<16xf32>
      %sub3A_305 = arith.subf %get3A_301, %get3A_304 : vector<16xf32>
      %abs3A_306 = math.absf %sub3A_305 : vector<16xf32>
      %min3A_307 = arith.constant 1.000000e+00 : f32
      %min3A_308 = vector.broadcast %min3A_307 : f32 to vector<16xf32>
      %min3A_309 = arith.minimumf %abs3A_306, %min3A_308 : vector<16xf32>
      %mul3A_310 = arith.constant 5.000000e-01 : f32
      %mul3A_311 = vector.broadcast %mul3A_310 : f32 to vector<16xf32>
      %mul3A_312 = arith.mulf %mul3A_311, %min3A_309 : vector<16xf32>
      %sub3A_313 = arith.subf %abs3A_306, %mul3A_312 : vector<16xf32>
      %mul3A_314 = arith.mulf %min3A_309, %sub3A_313 : vector<16xf32>
      %add3A_315 = arith.addf %mul3A_294, %mul3A_314 : vector<16xf32>
      %add3A_316 = arith.constant 256 : i32
      %add3A_317 = arith.addi %mul3A_47, %add3A_316 : i32
      %add3A_318 = arith.constant 32 : i32
      %add3A_319 = arith.addi %add3A_317, %add3A_318 : i32
      %get3A_320 = arith.index_cast %add3A_319 : i32 to index
      %get3A_321 = tpu.vector_load %arg8[%get3A_320] {strides = array<i32>} : memref<32768xf32, #tpu.memory_space<vmem>>, vector<16xf32>,
      %get3A_322 = vector.shape_cast %get3A_321 : vector<16xf32> to vector<16xf32>
      %get3A_323 = arith.index_cast %add3A_319 : i32 to index
      %get3A_324 = tpu.vector_load %arg7[%get3A_323] {strides = array<i32>} : memref<32768xf32, #tpu.memory_space<vmem>>, vector<16xf32>,
      %get3A_325 = vector.shape_cast %get3A_324 : vector<16xf32> to vector<16xf32>
      %sub3A_326 = arith.subf %get3A_322, %get3A_325 : vector<16xf32>
      %abs3A_327 = math.absf %sub3A_326 : vector<16xf32>
      %min3A_328 = arith.constant 1.000000e+00 : f32
      %min3A_329 = vector.broadcast %min3A_328 : f32 to vector<16xf32>
      %min3A_330 = arith.minimumf %abs3A_327, %min3A_329 : vector<16xf32>
      %mul3A_331 = arith.constant 5.000000e-01 : f32
      %mul3A_332 = vector.broadcast %mul3A_331 : f32 to vector<16xf32>
      %mul3A_333 = arith.mulf %mul3A_332, %min3A_330 : vector<16xf32>
      %sub3A_334 = arith.subf %abs3A_327, %mul3A_333 : vector<16xf32>
      %mul3A_335 = arith.mulf %min3A_330, %sub3A_334 : vector<16xf32>
      %add3A_336 = arith.addf %add3A_315, %mul3A_335 : vector<16xf32>
      %add3A_337 = arith.constant 384 : i32
      %add3A_338 = arith.addi %mul3A_47, %add3A_337 : i32
      %add3A_339 = arith.constant 32 : i32
      %add3A_340 = arith.addi %add3A_338, %add3A_339 : i32
      %get3A_341 = arith.index_cast %add3A_340 : i32 to index
      %get3A_342 = tpu.vector_load %arg8[%get3A_341] {strides = array<i32>} : memref<32768xf32, #tpu.memory_space<vmem>>, vector<16xf32>,
      %get3A_343 = vector.shape_cast %get3A_342 : vector<16xf32> to vector<16xf32>
      %get3A_344 = arith.index_cast %add3A_340 : i32 to index
      %get3A_345 = tpu.vector_load %arg7[%get3A_344] {strides = array<i32>} : memref<32768xf32, #tpu.memory_space<vmem>>, vector<16xf32>,
      %get3A_346 = vector.shape_cast %get3A_345 : vector<16xf32> to vector<16xf32>
      %sub3A_347 = arith.subf %get3A_343, %get3A_346 : vector<16xf32>
      %abs3A_348 = math.absf %sub3A_347 : vector<16xf32>
      %min3A_349 = arith.constant 1.000000e+00 : f32
      %min3A_350 = vector.broadcast %min3A_349 : f32 to vector<16xf32>
      %min3A_351 = arith.minimumf %abs3A_348, %min3A_350 : vector<16xf32>
      %mul3A_352 = arith.constant 5.000000e-01 : f32
      %mul3A_353 = vector.broadcast %mul3A_352 : f32 to vector<16xf32>
      %mul3A_354 = arith.mulf %mul3A_353, %min3A_351 : vector<16xf32>
      %sub3A_355 = arith.subf %abs3A_348, %mul3A_354 : vector<16xf32>
      %mul3A_356 = arith.mulf %min3A_351, %sub3A_355 : vector<16xf32>
      %add3A_357 = arith.addf %add3A_336, %mul3A_356 : vector<16xf32>
      %mul3A_358 = arith.mulf %max3A_274, %add3A_357 : vector<16xf32>
      %add3A_359 = arith.addf %scan3A_38, %mul3A_358 : vector<16xf32>
      %add3A_360 = arith.constant 48 : i32
      %add3A_361 = arith.addi %mul3A_45, %add3A_360 : i32
      %get3A_362 = arith.index_cast %add3A_361 : i32 to index
      %get3A_363 = tpu.vector_load %arg6[%get3A_362] {strides = array<i32>} : memref<8192xf32, #tpu.memory_space<vmem>>, vector<16xf32>,
      %get3A_364 = vector.shape_cast %get3A_363 : vector<16xf32> to vector<16xf32>
      %sign3A_365 = tpu.bitcast %get3A_364 : vector<16xf32> -> vector<16xi32>
      %sign3A_366 = arith.constant -2147483648 : i32
      %sign3A_367 = vector.broadcast %sign3A_366 : i32 to vector<16xi32>
      %sign3A_368 = arith.andi %sign3A_365, %sign3A_367 : vector<16xi32>
      %sign3A_369 = arith.constant 1065353216 : i32
      %sign3A_370 = vector.broadcast %sign3A_369 : i32 to vector<16xi32>
      %sign3A_371 = arith.ori %sign3A_370, %sign3A_368 : vector<16xi32>
      %sign3A_372 = tpu.bitcast %sign3A_371 : vector<16xi32> -> vector<16xf32>
      %sign3A_373 = math.absf %get3A_364 : vector<16xf32>
      %sign3A_374 = arith.constant 0.000000e+00 : f32
      %sign3A_375 = vector.broadcast %sign3A_374 : f32 to vector<16xf32>
      %sign3A_376 = arith.cmpf ogt, %sign3A_373, %sign3A_375 : vector<16xf32>
      %sign3A_377 = arith.select %sign3A_376, %sign3A_372, %get3A_364 : vector<16xi1>, vector<16xf32>
      %max3A_378 = arith.constant 0.000000e+00 : f32
      %max3A_379 = vector.broadcast %max3A_378 : f32 to vector<16xf32>
      %max3A_380 = arith.maximumf %sign3A_377, %max3A_379 : vector<16xf32>
      %add3A_381 = arith.constant 0 : i32
      %add3A_382 = arith.addi %mul3A_47, %add3A_381 : i32
      %add3A_383 = arith.constant 48 : i32
      %add3A_384 = arith.addi %add3A_382, %add3A_383 : i32
      %get3A_385 = arith.index_cast %add3A_384 : i32 to index
      %get3A_386 = tpu.vector_load %arg8[%get3A_385] {strides = array<i32>} : memref<32768xf32, #tpu.memory_space<vmem>>, vector<16xf32>,
      %get3A_387 = vector.shape_cast %get3A_386 : vector<16xf32> to vector<16xf32>
      %get3A_388 = arith.index_cast %add3A_384 : i32 to index
      %get3A_389 = tpu.vector_load %arg7[%get3A_388] {strides = array<i32>} : memref<32768xf32, #tpu.memory_space<vmem>>, vector<16xf32>,
      %get3A_390 = vector.shape_cast %get3A_389 : vector<16xf32> to vector<16xf32>
      %sub3A_391 = arith.subf %get3A_387, %get3A_390 : vector<16xf32>
      %abs3A_392 = math.absf %sub3A_391 : vector<16xf32>
      %min3A_393 = arith.constant 1.000000e+00 : f32
      %min3A_394 = vector.broadcast %min3A_393 : f32 to vector<16xf32>
      %min3A_395 = arith.minimumf %abs3A_392, %min3A_394 : vector<16xf32>
      %mul3A_396 = arith.constant 5.000000e-01 : f32
      %mul3A_397 = vector.broadcast %mul3A_396 : f32 to vector<16xf32>
      %mul3A_398 = arith.mulf %mul3A_397, %min3A_395 : vector<16xf32>
      %sub3A_399 = arith.subf %abs3A_392, %mul3A_398 : vector<16xf32>
      %mul3A_400 = arith.mulf %min3A_395, %sub3A_399 : vector<16xf32>
      %add3A_401 = arith.constant 128 : i32
      %add3A_402 = arith.addi %mul3A_47, %add3A_401 : i32
      %add3A_403 = arith.constant 48 : i32
      %add3A_404 = arith.addi %add3A_402, %add3A_403 : i32
      %get3A_405 = arith.index_cast %add3A_404 : i32 to index
      %get3A_406 = tpu.vector_load %arg8[%get3A_405] {strides = array<i32>} : memref<32768xf32, #tpu.memory_space<vmem>>, vector<16xf32>,
      %get3A_407 = vector.shape_cast %get3A_406 : vector<16xf32> to vector<16xf32>
      %get3A_408 = arith.index_cast %add3A_404 : i32 to index
      %get3A_409 = tpu.vector_load %arg7[%get3A_408] {strides = array<i32>} : memref<32768xf32, #tpu.memory_space<vmem>>, vector<16xf32>,
      %get3A_410 = vector.shape_cast %get3A_409 : vector<16xf32> to vector<16xf32>
      %sub3A_411 = arith.subf %get3A_407, %get3A_410 : vector<16xf32>
      %abs3A_412 = math.absf %sub3A_411 : vector<16xf32>
      %min3A_413 = arith.constant 1.000000e+00 : f32
      %min3A_414 = vector.broadcast %min3A_413 : f32 to vector<16xf32>
      %min3A_415 = arith.minimumf %abs3A_412, %min3A_414 : vector<16xf32>
      %mul3A_416 = arith.constant 5.000000e-01 : f32
      %mul3A_417 = vector.broadcast %mul3A_416 : f32 to vector<16xf32>
      %mul3A_418 = arith.mulf %mul3A_417, %min3A_415 : vector<16xf32>
      %sub3A_419 = arith.subf %abs3A_412, %mul3A_418 : vector<16xf32>
      %mul3A_420 = arith.mulf %min3A_415, %sub3A_419 : vector<16xf32>
      %add3A_421 = arith.addf %mul3A_400, %mul3A_420 : vector<16xf32>
      %add3A_422 = arith.constant 256 : i32
      %add3A_423 = arith.addi %mul3A_47, %add3A_422 : i32
      %add3A_424 = arith.constant 48 : i32
      %add3A_425 = arith.addi %add3A_423, %add3A_424 : i32
      %get3A_426 = arith.index_cast %add3A_425 : i32 to index
      %get3A_427 = tpu.vector_load %arg8[%get3A_426] {strides = array<i32>} : memref<32768xf32, #tpu.memory_space<vmem>>, vector<16xf32>,
      %get3A_428 = vector.shape_cast %get3A_427 : vector<16xf32> to vector<16xf32>
      %get3A_429 = arith.index_cast %add3A_425 : i32 to index
      %get3A_430 = tpu.vector_load %arg7[%get3A_429] {strides = array<i32>} : memref<32768xf32, #tpu.memory_space<vmem>>, vector<16xf32>,
      %get3A_431 = vector.shape_cast %get3A_430 : vector<16xf32> to vector<16xf32>
      %sub3A_432 = arith.subf %get3A_428, %get3A_431 : vector<16xf32>
      %abs3A_433 = math.absf %sub3A_432 : vector<16xf32>
      %min3A_434 = arith.constant 1.000000e+00 : f32
      %min3A_435 = vector.broadcast %min3A_434 : f32 to vector<16xf32>
      %min3A_436 = arith.minimumf %abs3A_433, %min3A_435 : vector<16xf32>
      %mul3A_437 = arith.constant 5.000000e-01 : f32
      %mul3A_438 = vector.broadcast %mul3A_437 : f32 to vector<16xf32>
      %mul3A_439 = arith.mulf %mul3A_438, %min3A_436 : vector<16xf32>
      %sub3A_440 = arith.subf %abs3A_433, %mul3A_439 : vector<16xf32>
      %mul3A_441 = arith.mulf %min3A_436, %sub3A_440 : vector<16xf32>
      %add3A_442 = arith.addf %add3A_421, %mul3A_441 : vector<16xf32>
      %add3A_443 = arith.constant 384 : i32
      %add3A_444 = arith.addi %mul3A_47, %add3A_443 : i32
      %add3A_445 = arith.constant 48 : i32
      %add3A_446 = arith.addi %add3A_444, %add3A_445 : i32
      %get3A_447 = arith.index_cast %add3A_446 : i32 to index
      %get3A_448 = tpu.vector_load %arg8[%get3A_447] {strides = array<i32>} : memref<32768xf32, #tpu.memory_space<vmem>>, vector<16xf32>,
      %get3A_449 = vector.shape_cast %get3A_448 : vector<16xf32> to vector<16xf32>
      %get3A_450 = arith.index_cast %add3A_446 : i32 to index
      %get3A_451 = tpu.vector_load %arg7[%get3A_450] {strides = array<i32>} : memref<32768xf32, #tpu.memory_space<vmem>>, vector<16xf32>,
      %get3A_452 = vector.shape_cast %get3A_451 : vector<16xf32> to vector<16xf32>
      %sub3A_453 = arith.subf %get3A_449, %get3A_452 : vector<16xf32>
      %abs3A_454 = math.absf %sub3A_453 : vector<16xf32>
      %min3A_455 = arith.constant 1.000000e+00 : f32
      %min3A_456 = vector.broadcast %min3A_455 : f32 to vector<16xf32>
      %min3A_457 = arith.minimumf %abs3A_454, %min3A_456 : vector<16xf32>
      %mul3A_458 = arith.constant 5.000000e-01 : f32
      %mul3A_459 = vector.broadcast %mul3A_458 : f32 to vector<16xf32>
      %mul3A_460 = arith.mulf %mul3A_459, %min3A_457 : vector<16xf32>
      %sub3A_461 = arith.subf %abs3A_454, %mul3A_460 : vector<16xf32>
      %mul3A_462 = arith.mulf %min3A_457, %sub3A_461 : vector<16xf32>
      %add3A_463 = arith.addf %add3A_442, %mul3A_462 : vector<16xf32>
      %mul3A_464 = arith.mulf %max3A_380, %add3A_463 : vector<16xf32>
      %add3A_465 = arith.addf %scan3A_39, %mul3A_464 : vector<16xf32>
      %add3A_466 = arith.constant 64 : i32
      %add3A_467 = arith.addi %mul3A_45, %add3A_466 : i32
      %get3A_468 = arith.index_cast %add3A_467 : i32 to index
      %get3A_469 = tpu.vector_load %arg6[%get3A_468] {strides = array<i32>} : memref<8192xf32, #tpu.memory_space<vmem>>, vector<16xf32>,
      %get3A_470 = vector.shape_cast %get3A_469 : vector<16xf32> to vector<16xf32>
      %sign3A_471 = tpu.bitcast %get3A_470 : vector<16xf32> -> vector<16xi32>
      %sign3A_472 = arith.constant -2147483648 : i32
      %sign3A_473 = vector.broadcast %sign3A_472 : i32 to vector<16xi32>
      %sign3A_474 = arith.andi %sign3A_471, %sign3A_473 : vector<16xi32>
      %sign3A_475 = arith.constant 1065353216 : i32
      %sign3A_476 = vector.broadcast %sign3A_475 : i32 to vector<16xi32>
      %sign3A_477 = arith.ori %sign3A_476, %sign3A_474 : vector<16xi32>
      %sign3A_478 = tpu.bitcast %sign3A_477 : vector<16xi32> -> vector<16xf32>
      %sign3A_479 = math.absf %get3A_470 : vector<16xf32>
      %sign3A_480 = arith.constant 0.000000e+00 : f32
      %sign3A_481 = vector.broadcast %sign3A_480 : f32 to vector<16xf32>
      %sign3A_482 = arith.cmpf ogt, %sign3A_479, %sign3A_481 : vector<16xf32>
      %sign3A_483 = arith.select %sign3A_482, %sign3A_478, %get3A_470 : vector<16xi1>, vector<16xf32>
      %max3A_484 = arith.constant 0.000000e+00 : f32
      %max3A_485 = vector.broadcast %max3A_484 : f32 to vector<16xf32>
      %max3A_486 = arith.maximumf %sign3A_483, %max3A_485 : vector<16xf32>
      %add3A_487 = arith.constant 0 : i32
      %add3A_488 = arith.addi %mul3A_47, %add3A_487 : i32
      %add3A_489 = arith.constant 64 : i32
      %add3A_490 = arith.addi %add3A_488, %add3A_489 : i32
      %get3A_491 = arith.index_cast %add3A_490 : i32 to index
      %get3A_492 = tpu.vector_load %arg8[%get3A_491] {strides = array<i32>} : memref<32768xf32, #tpu.memory_space<vmem>>, vector<16xf32>,
      %get3A_493 = vector.shape_cast %get3A_492 : vector<16xf32> to vector<16xf32>
      %get3A_494 = arith.index_cast %add3A_490 : i32 to index
      %get3A_495 = tpu.vector_load %arg7[%get3A_494] {strides = array<i32>} : memref<32768xf32, #tpu.memory_space<vmem>>, vector<16xf32>,
      %get3A_496 = vector.shape_cast %get3A_495 : vector<16xf32> to vector<16xf32>
      %sub3A_497 = arith.subf %get3A_493, %get3A_496 : vector<16xf32>
      %abs3A_498 = math.absf %sub3A_497 : vector<16xf32>
      %min3A_499 = arith.constant 1.000000e+00 : f32
      %min3A_500 = vector.broadcast %min3A_499 : f32 to vector<16xf32>
      %min3A_501 = arith.minimumf %abs3A_498, %min3A_500 : vector<16xf32>
      %mul3A_502 = arith.constant 5.000000e-01 : f32
      %mul3A_503 = vector.broadcast %mul3A_502 : f32 to vector<16xf32>
      %mul3A_504 = arith.mulf %mul3A_503, %min3A_501 : vector<16xf32>
      %sub3A_505 = arith.subf %abs3A_498, %mul3A_504 : vector<16xf32>
      %mul3A_506 = arith.mulf %min3A_501, %sub3A_505 : vector<16xf32>
      %add3A_507 = arith.constant 128 : i32
      %add3A_508 = arith.addi %mul3A_47, %add3A_507 : i32
      %add3A_509 = arith.constant 64 : i32
      %add3A_510 = arith.addi %add3A_508, %add3A_509 : i32
      %get3A_511 = arith.index_cast %add3A_510 : i32 to index
      %get3A_512 = tpu.vector_load %arg8[%get3A_511] {strides = array<i32>} : memref<32768xf32, #tpu.memory_space<vmem>>, vector<16xf32>,
      %get3A_513 = vector.shape_cast %get3A_512 : vector<16xf32> to vector<16xf32>
      %get3A_514 = arith.index_cast %add3A_510 : i32 to index
      %get3A_515 = tpu.vector_load %arg7[%get3A_514] {strides = array<i32>} : memref<32768xf32, #tpu.memory_space<vmem>>, vector<16xf32>,
      %get3A_516 = vector.shape_cast %get3A_515 : vector<16xf32> to vector<16xf32>
      %sub3A_517 = arith.subf %get3A_513, %get3A_516 : vector<16xf32>
      %abs3A_518 = math.absf %sub3A_517 : vector<16xf32>
      %min3A_519 = arith.constant 1.000000e+00 : f32
      %min3A_520 = vector.broadcast %min3A_519 : f32 to vector<16xf32>
      %min3A_521 = arith.minimumf %abs3A_518, %min3A_520 : vector<16xf32>
      %mul3A_522 = arith.constant 5.000000e-01 : f32
      %mul3A_523 = vector.broadcast %mul3A_522 : f32 to vector<16xf32>
      %mul3A_524 = arith.mulf %mul3A_523, %min3A_521 : vector<16xf32>
      %sub3A_525 = arith.subf %abs3A_518, %mul3A_524 : vector<16xf32>
      %mul3A_526 = arith.mulf %min3A_521, %sub3A_525 : vector<16xf32>
      %add3A_527 = arith.addf %mul3A_506, %mul3A_526 : vector<16xf32>
      %add3A_528 = arith.constant 256 : i32
      %add3A_529 = arith.addi %mul3A_47, %add3A_528 : i32
      %add3A_530 = arith.constant 64 : i32
      %add3A_531 = arith.addi %add3A_529, %add3A_530 : i32
      %get3A_532 = arith.index_cast %add3A_531 : i32 to index
      %get3A_533 = tpu.vector_load %arg8[%get3A_532] {strides = array<i32>} : memref<32768xf32, #tpu.memory_space<vmem>>, vector<16xf32>,
      %get3A_534 = vector.shape_cast %get3A_533 : vector<16xf32> to vector<16xf32>
      %get3A_535 = arith.index_cast %add3A_531 : i32 to index
      %get3A_536 = tpu.vector_load %arg7[%get3A_535] {strides = array<i32>} : memref<32768xf32, #tpu.memory_space<vmem>>, vector<16xf32>,
      %get3A_537 = vector.shape_cast %get3A_536 : vector<16xf32> to vector<16xf32>
      %sub3A_538 = arith.subf %get3A_534, %get3A_537 : vector<16xf32>
      %abs3A_539 = math.absf %sub3A_538 : vector<16xf32>
      %min3A_540 = arith.constant 1.000000e+00 : f32
      %min3A_541 = vector.broadcast %min3A_540 : f32 to vector<16xf32>
      %min3A_542 = arith.minimumf %abs3A_539, %min3A_541 : vector<16xf32>
      %mul3A_543 = arith.constant 5.000000e-01 : f32
      %mul3A_544 = vector.broadcast %mul3A_543 : f32 to vector<16xf32>
      %mul3A_545 = arith.mulf %mul3A_544, %min3A_542 : vector<16xf32>
      %sub3A_546 = arith.subf %abs3A_539, %mul3A_545 : vector<16xf32>
      %mul3A_547 = arith.mulf %min3A_542, %sub3A_546 : vector<16xf32>
      %add3A_548 = arith.addf %add3A_527, %mul3A_547 : vector<16xf32>
      %add3A_549 = arith.constant 384 : i32
      %add3A_550 = arith.addi %mul3A_47, %add3A_549 : i32
      %add3A_551 = arith.constant 64 : i32
      %add3A_552 = arith.addi %add3A_550, %add3A_551 : i32
      %get3A_553 = arith.index_cast %add3A_552 : i32 to index
      %get3A_554 = tpu.vector_load %arg8[%get3A_553] {strides = array<i32>} : memref<32768xf32, #tpu.memory_space<vmem>>, vector<16xf32>,
      %get3A_555 = vector.shape_cast %get3A_554 : vector<16xf32> to vector<16xf32>
      %get3A_556 = arith.index_cast %add3A_552 : i32 to index
      %get3A_557 = tpu.vector_load %arg7[%get3A_556] {strides = array<i32>} : memref<32768xf32, #tpu.memory_space<vmem>>, vector<16xf32>,
      %get3A_558 = vector.shape_cast %get3A_557 : vector<16xf32> to vector<16xf32>
      %sub3A_559 = arith.subf %get3A_555, %get3A_558 : vector<16xf32>
      %abs3A_560 = math.absf %sub3A_559 : vector<16xf32>
      %min3A_561 = arith.constant 1.000000e+00 : f32
      %min3A_562 = vector.broadcast %min3A_561 : f32 to vector<16xf32>
      %min3A_563 = arith.minimumf %abs3A_560, %min3A_562 : vector<16xf32>
      %mul3A_564 = arith.constant 5.000000e-01 : f32
      %mul3A_565 = vector.broadcast %mul3A_564 : f32 to vector<16xf32>
      %mul3A_566 = arith.mulf %mul3A_565, %min3A_563 : vector<16xf32>
      %sub3A_567 = arith.subf %abs3A_560, %mul3A_566 : vector<16xf32>
      %mul3A_568 = arith.mulf %min3A_563, %sub3A_567 : vector<16xf32>
      %add3A_569 = arith.addf %add3A_548, %mul3A_568 : vector<16xf32>
      %mul3A_570 = arith.mulf %max3A_486, %add3A_569 : vector<16xf32>
      %add3A_571 = arith.addf %scan3A_40, %mul3A_570 : vector<16xf32>
      %add3A_572 = arith.constant 80 : i32
      %add3A_573 = arith.addi %mul3A_45, %add3A_572 : i32
      %get3A_574 = arith.index_cast %add3A_573 : i32 to index
      %get3A_575 = tpu.vector_load %arg6[%get3A_574] {strides = array<i32>} : memref<8192xf32, #tpu.memory_space<vmem>>, vector<16xf32>,
      %get3A_576 = vector.shape_cast %get3A_575 : vector<16xf32> to vector<16xf32>
      %sign3A_577 = tpu.bitcast %get3A_576 : vector<16xf32> -> vector<16xi32>
      %sign3A_578 = arith.constant -2147483648 : i32
      %sign3A_579 = vector.broadcast %sign3A_578 : i32 to vector<16xi32>
      %sign3A_580 = arith.andi %sign3A_577, %sign3A_579 : vector<16xi32>
      %sign3A_581 = arith.constant 1065353216 : i32
      %sign3A_582 = vector.broadcast %sign3A_581 : i32 to vector<16xi32>
      %sign3A_583 = arith.ori %sign3A_582, %sign3A_580 : vector<16xi32>
      %sign3A_584 = tpu.bitcast %sign3A_583 : vector<16xi32> -> vector<16xf32>
      %sign3A_585 = math.absf %get3A_576 : vector<16xf32>
      %sign3A_586 = arith.constant 0.000000e+00 : f32
      %sign3A_587 = vector.broadcast %sign3A_586 : f32 to vector<16xf32>
      %sign3A_588 = arith.cmpf ogt, %sign3A_585, %sign3A_587 : vector<16xf32>
      %sign3A_589 = arith.select %sign3A_588, %sign3A_584, %get3A_576 : vector<16xi1>, vector<16xf32>
      %max3A_590 = arith.constant 0.000000e+00 : f32
      %max3A_591 = vector.broadcast %max3A_590 : f32 to vector<16xf32>
      %max3A_592 = arith.maximumf %sign3A_589, %max3A_591 : vector<16xf32>
      %add3A_593 = arith.constant 0 : i32
      %add3A_594 = arith.addi %mul3A_47, %add3A_593 : i32
      %add3A_595 = arith.constant 80 : i32
      %add3A_596 = arith.addi %add3A_594, %add3A_595 : i32
      %get3A_597 = arith.index_cast %add3A_596 : i32 to index
      %get3A_598 = tpu.vector_load %arg8[%get3A_597] {strides = array<i32>} : memref<32768xf32, #tpu.memory_space<vmem>>, vector<16xf32>,
      %get3A_599 = vector.shape_cast %get3A_598 : vector<16xf32> to vector<16xf32>
      %get3A_600 = arith.index_cast %add3A_596 : i32 to index
      %get3A_601 = tpu.vector_load %arg7[%get3A_600] {strides = array<i32>} : memref<32768xf32, #tpu.memory_space<vmem>>, vector<16xf32>,
      %get3A_602 = vector.shape_cast %get3A_601 : vector<16xf32> to vector<16xf32>
      %sub3A_603 = arith.subf %get3A_599, %get3A_602 : vector<16xf32>
      %abs3A_604 = math.absf %sub3A_603 : vector<16xf32>
      %min3A_605 = arith.constant 1.000000e+00 : f32
      %min3A_606 = vector.broadcast %min3A_605 : f32 to vector<16xf32>
      %min3A_607 = arith.minimumf %abs3A_604, %min3A_606 : vector<16xf32>
      %mul3A_608 = arith.constant 5.000000e-01 : f32
      %mul3A_609 = vector.broadcast %mul3A_608 : f32 to vector<16xf32>
      %mul3A_610 = arith.mulf %mul3A_609, %min3A_607 : vector<16xf32>
      %sub3A_611 = arith.subf %abs3A_604, %mul3A_610 : vector<16xf32>
      %mul3A_612 = arith.mulf %min3A_607, %sub3A_611 : vector<16xf32>
      %add3A_613 = arith.constant 128 : i32
      %add3A_614 = arith.addi %mul3A_47, %add3A_613 : i32
      %add3A_615 = arith.constant 80 : i32
      %add3A_616 = arith.addi %add3A_614, %add3A_615 : i32
      %get3A_617 = arith.index_cast %add3A_616 : i32 to index
      %get3A_618 = tpu.vector_load %arg8[%get3A_617] {strides = array<i32>} : memref<32768xf32, #tpu.memory_space<vmem>>, vector<16xf32>,
      %get3A_619 = vector.shape_cast %get3A_618 : vector<16xf32> to vector<16xf32>
      %get3A_620 = arith.index_cast %add3A_616 : i32 to index
      %get3A_621 = tpu.vector_load %arg7[%get3A_620] {strides = array<i32>} : memref<32768xf32, #tpu.memory_space<vmem>>, vector<16xf32>,
      %get3A_622 = vector.shape_cast %get3A_621 : vector<16xf32> to vector<16xf32>
      %sub3A_623 = arith.subf %get3A_619, %get3A_622 : vector<16xf32>
      %abs3A_624 = math.absf %sub3A_623 : vector<16xf32>
      %min3A_625 = arith.constant 1.000000e+00 : f32
      %min3A_626 = vector.broadcast %min3A_625 : f32 to vector<16xf32>
      %min3A_627 = arith.minimumf %abs3A_624, %min3A_626 : vector<16xf32>
      %mul3A_628 = arith.constant 5.000000e-01 : f32
      %mul3A_629 = vector.broadcast %mul3A_628 : f32 to vector<16xf32>
      %mul3A_630 = arith.mulf %mul3A_629, %min3A_627 : vector<16xf32>
      %sub3A_631 = arith.subf %abs3A_624, %mul3A_630 : vector<16xf32>
      %mul3A_632 = arith.mulf %min3A_627, %sub3A_631 : vector<16xf32>
      %add3A_633 = arith.addf %mul3A_612, %mul3A_632 : vector<16xf32>
      %add3A_634 = arith.constant 256 : i32
      %add3A_635 = arith.addi %mul3A_47, %add3A_634 : i32
      %add3A_636 = arith.constant 80 : i32
      %add3A_637 = arith.addi %add3A_635, %add3A_636 : i32
      %get3A_638 = arith.index_cast %add3A_637 : i32 to index
      %get3A_639 = tpu.vector_load %arg8[%get3A_638] {strides = array<i32>} : memref<32768xf32, #tpu.memory_space<vmem>>, vector<16xf32>,
      %get3A_640 = vector.shape_cast %get3A_639 : vector<16xf32> to vector<16xf32>
      %get3A_641 = arith.index_cast %add3A_637 : i32 to index
      %get3A_642 = tpu.vector_load %arg7[%get3A_641] {strides = array<i32>} : memref<32768xf32, #tpu.memory_space<vmem>>, vector<16xf32>,
      %get3A_643 = vector.shape_cast %get3A_642 : vector<16xf32> to vector<16xf32>
      %sub3A_644 = arith.subf %get3A_640, %get3A_643 : vector<16xf32>
      %abs3A_645 = math.absf %sub3A_644 : vector<16xf32>
      %min3A_646 = arith.constant 1.000000e+00 : f32
      %min3A_647 = vector.broadcast %min3A_646 : f32 to vector<16xf32>
      %min3A_648 = arith.minimumf %abs3A_645, %min3A_647 : vector<16xf32>
      %mul3A_649 = arith.constant 5.000000e-01 : f32
      %mul3A_650 = vector.broadcast %mul3A_649 : f32 to vector<16xf32>
      %mul3A_651 = arith.mulf %mul3A_650, %min3A_648 : vector<16xf32>
      %sub3A_652 = arith.subf %abs3A_645, %mul3A_651 : vector<16xf32>
      %mul3A_653 = arith.mulf %min3A_648, %sub3A_652 : vector<16xf32>
      %add3A_654 = arith.addf %add3A_633, %mul3A_653 : vector<16xf32>
      %add3A_655 = arith.constant 384 : i32
      %add3A_656 = arith.addi %mul3A_47, %add3A_655 : i32
      %add3A_657 = arith.constant 80 : i32
      %add3A_658 = arith.addi %add3A_656, %add3A_657 : i32
      %get3A_659 = arith.index_cast %add3A_658 : i32 to index
      %get3A_660 = tpu.vector_load %arg8[%get3A_659] {strides = array<i32>} : memref<32768xf32, #tpu.memory_space<vmem>>, vector<16xf32>,
      %get3A_661 = vector.shape_cast %get3A_660 : vector<16xf32> to vector<16xf32>
      %get3A_662 = arith.index_cast %add3A_658 : i32 to index
      %get3A_663 = tpu.vector_load %arg7[%get3A_662] {strides = array<i32>} : memref<32768xf32, #tpu.memory_space<vmem>>, vector<16xf32>,
      %get3A_664 = vector.shape_cast %get3A_663 : vector<16xf32> to vector<16xf32>
      %sub3A_665 = arith.subf %get3A_661, %get3A_664 : vector<16xf32>
      %abs3A_666 = math.absf %sub3A_665 : vector<16xf32>
      %min3A_667 = arith.constant 1.000000e+00 : f32
      %min3A_668 = vector.broadcast %min3A_667 : f32 to vector<16xf32>
      %min3A_669 = arith.minimumf %abs3A_666, %min3A_668 : vector<16xf32>
      %mul3A_670 = arith.constant 5.000000e-01 : f32
      %mul3A_671 = vector.broadcast %mul3A_670 : f32 to vector<16xf32>
      %mul3A_672 = arith.mulf %mul3A_671, %min3A_669 : vector<16xf32>
      %sub3A_673 = arith.subf %abs3A_666, %mul3A_672 : vector<16xf32>
      %mul3A_674 = arith.mulf %min3A_669, %sub3A_673 : vector<16xf32>
      %add3A_675 = arith.addf %add3A_654, %mul3A_674 : vector<16xf32>
      %mul3A_676 = arith.mulf %max3A_592, %add3A_675 : vector<16xf32>
      %add3A_677 = arith.addf %scan3A_41, %mul3A_676 : vector<16xf32>
      %add3A_678 = arith.constant 96 : i32
      %add3A_679 = arith.addi %mul3A_45, %add3A_678 : i32
      %get3A_680 = arith.index_cast %add3A_679 : i32 to index
      %get3A_681 = tpu.vector_load %arg6[%get3A_680] {strides = array<i32>} : memref<8192xf32, #tpu.memory_space<vmem>>, vector<16xf32>,
      %get3A_682 = vector.shape_cast %get3A_681 : vector<16xf32> to vector<16xf32>
      %sign3A_683 = tpu.bitcast %get3A_682 : vector<16xf32> -> vector<16xi32>
      %sign3A_684 = arith.constant -2147483648 : i32
      %sign3A_685 = vector.broadcast %sign3A_684 : i32 to vector<16xi32>
      %sign3A_686 = arith.andi %sign3A_683, %sign3A_685 : vector<16xi32>
      %sign3A_687 = arith.constant 1065353216 : i32
      %sign3A_688 = vector.broadcast %sign3A_687 : i32 to vector<16xi32>
      %sign3A_689 = arith.ori %sign3A_688, %sign3A_686 : vector<16xi32>
      %sign3A_690 = tpu.bitcast %sign3A_689 : vector<16xi32> -> vector<16xf32>
      %sign3A_691 = math.absf %get3A_682 : vector<16xf32>
      %sign3A_692 = arith.constant 0.000000e+00 : f32
      %sign3A_693 = vector.broadcast %sign3A_692 : f32 to vector<16xf32>
      %sign3A_694 = arith.cmpf ogt, %sign3A_691, %sign3A_693 : vector<16xf32>
      %sign3A_695 = arith.select %sign3A_694, %sign3A_690, %get3A_682 : vector<16xi1>, vector<16xf32>
      %max3A_696 = arith.constant 0.000000e+00 : f32
      %max3A_697 = vector.broadcast %max3A_696 : f32 to vector<16xf32>
      %max3A_698 = arith.maximumf %sign3A_695, %max3A_697 : vector<16xf32>
      %add3A_699 = arith.constant 0 : i32
      %add3A_700 = arith.addi %mul3A_47, %add3A_699 : i32
      %add3A_701 = arith.constant 96 : i32
      %add3A_702 = arith.addi %add3A_700, %add3A_701 : i32
      %get3A_703 = arith.index_cast %add3A_702 : i32 to index
      %get3A_704 = tpu.vector_load %arg8[%get3A_703] {strides = array<i32>} : memref<32768xf32, #tpu.memory_space<vmem>>, vector<16xf32>,
      %get3A_705 = vector.shape_cast %get3A_704 : vector<16xf32> to vector<16xf32>
      %get3A_706 = arith.index_cast %add3A_702 : i32 to index
      %get3A_707 = tpu.vector_load %arg7[%get3A_706] {strides = array<i32>} : memref<32768xf32, #tpu.memory_space<vmem>>, vector<16xf32>,
      %get3A_708 = vector.shape_cast %get3A_707 : vector<16xf32> to vector<16xf32>
      %sub3A_709 = arith.subf %get3A_705, %get3A_708 : vector<16xf32>
      %abs3A_710 = math.absf %sub3A_709 : vector<16xf32>
      %min3A_711 = arith.constant 1.000000e+00 : f32
      %min3A_712 = vector.broadcast %min3A_711 : f32 to vector<16xf32>
      %min3A_713 = arith.minimumf %abs3A_710, %min3A_712 : vector<16xf32>
      %mul3A_714 = arith.constant 5.000000e-01 : f32
      %mul3A_715 = vector.broadcast %mul3A_714 : f32 to vector<16xf32>
      %mul3A_716 = arith.mulf %mul3A_715, %min3A_713 : vector<16xf32>
      %sub3A_717 = arith.subf %abs3A_710, %mul3A_716 : vector<16xf32>
      %mul3A_718 = arith.mulf %min3A_713, %sub3A_717 : vector<16xf32>
      %add3A_719 = arith.constant 128 : i32
      %add3A_720 = arith.addi %mul3A_47, %add3A_719 : i32
      %add3A_721 = arith.constant 96 : i32
      %add3A_722 = arith.addi %add3A_720, %add3A_721 : i32
      %get3A_723 = arith.index_cast %add3A_722 : i32 to index
      %get3A_724 = tpu.vector_load %arg8[%get3A_723] {strides = array<i32>} : memref<32768xf32, #tpu.memory_space<vmem>>, vector<16xf32>,
      %get3A_725 = vector.shape_cast %get3A_724 : vector<16xf32> to vector<16xf32>
      %get3A_726 = arith.index_cast %add3A_722 : i32 to index
      %get3A_727 = tpu.vector_load %arg7[%get3A_726] {strides = array<i32>} : memref<32768xf32, #tpu.memory_space<vmem>>, vector<16xf32>,
      %get3A_728 = vector.shape_cast %get3A_727 : vector<16xf32> to vector<16xf32>
      %sub3A_729 = arith.subf %get3A_725, %get3A_728 : vector<16xf32>
      %abs3A_730 = math.absf %sub3A_729 : vector<16xf32>
      %min3A_731 = arith.constant 1.000000e+00 : f32
      %min3A_732 = vector.broadcast %min3A_731 : f32 to vector<16xf32>
      %min3A_733 = arith.minimumf %abs3A_730, %min3A_732 : vector<16xf32>
      %mul3A_734 = arith.constant 5.000000e-01 : f32
      %mul3A_735 = vector.broadcast %mul3A_734 : f32 to vector<16xf32>
      %mul3A_736 = arith.mulf %mul3A_735, %min3A_733 : vector<16xf32>
      %sub3A_737 = arith.subf %abs3A_730, %mul3A_736 : vector<16xf32>
      %mul3A_738 = arith.mulf %min3A_733, %sub3A_737 : vector<16xf32>
      %add3A_739 = arith.addf %mul3A_718, %mul3A_738 : vector<16xf32>
      %add3A_740 = arith.constant 256 : i32
      %add3A_741 = arith.addi %mul3A_47, %add3A_740 : i32
      %add3A_742 = arith.constant 96 : i32
      %add3A_743 = arith.addi %add3A_741, %add3A_742 : i32
      %get3A_744 = arith.index_cast %add3A_743 : i32 to index
      %get3A_745 = tpu.vector_load %arg8[%get3A_744] {strides = array<i32>} : memref<32768xf32, #tpu.memory_space<vmem>>, vector<16xf32>,
      %get3A_746 = vector.shape_cast %get3A_745 : vector<16xf32> to vector<16xf32>
      %get3A_747 = arith.index_cast %add3A_743 : i32 to index
      %get3A_748 = tpu.vector_load %arg7[%get3A_747] {strides = array<i32>} : memref<32768xf32, #tpu.memory_space<vmem>>, vector<16xf32>,
      %get3A_749 = vector.shape_cast %get3A_748 : vector<16xf32> to vector<16xf32>
      %sub3A_750 = arith.subf %get3A_746, %get3A_749 : vector<16xf32>
      %abs3A_751 = math.absf %sub3A_750 : vector<16xf32>
      %min3A_752 = arith.constant 1.000000e+00 : f32
      %min3A_753 = vector.broadcast %min3A_752 : f32 to vector<16xf32>
      %min3A_754 = arith.minimumf %abs3A_751, %min3A_753 : vector<16xf32>
      %mul3A_755 = arith.constant 5.000000e-01 : f32
      %mul3A_756 = vector.broadcast %mul3A_755 : f32 to vector<16xf32>
      %mul3A_757 = arith.mulf %mul3A_756, %min3A_754 : vector<16xf32>
      %sub3A_758 = arith.subf %abs3A_751, %mul3A_757 : vector<16xf32>
      %mul3A_759 = arith.mulf %min3A_754, %sub3A_758 : vector<16xf32>
      %add3A_760 = arith.addf %add3A_739, %mul3A_759 : vector<16xf32>
      %add3A_761 = arith.constant 384 : i32
      %add3A_762 = arith.addi %mul3A_47, %add3A_761 : i32
      %add3A_763 = arith.constant 96 : i32
      %add3A_764 = arith.addi %add3A_762, %add3A_763 : i32
      %get3A_765 = arith.index_cast %add3A_764 : i32 to index
      %get3A_766 = tpu.vector_load %arg8[%get3A_765] {strides = array<i32>} : memref<32768xf32, #tpu.memory_space<vmem>>, vector<16xf32>,
      %get3A_767 = vector.shape_cast %get3A_766 : vector<16xf32> to vector<16xf32>
      %get3A_768 = arith.index_cast %add3A_764 : i32 to index
      %get3A_769 = tpu.vector_load %arg7[%get3A_768] {strides = array<i32>} : memref<32768xf32, #tpu.memory_space<vmem>>, vector<16xf32>,
      %get3A_770 = vector.shape_cast %get3A_769 : vector<16xf32> to vector<16xf32>
      %sub3A_771 = arith.subf %get3A_767, %get3A_770 : vector<16xf32>
      %abs3A_772 = math.absf %sub3A_771 : vector<16xf32>
      %min3A_773 = arith.constant 1.000000e+00 : f32
      %min3A_774 = vector.broadcast %min3A_773 : f32 to vector<16xf32>
      %min3A_775 = arith.minimumf %abs3A_772, %min3A_774 : vector<16xf32>
      %mul3A_776 = arith.constant 5.000000e-01 : f32
      %mul3A_777 = vector.broadcast %mul3A_776 : f32 to vector<16xf32>
      %mul3A_778 = arith.mulf %mul3A_777, %min3A_775 : vector<16xf32>
      %sub3A_779 = arith.subf %abs3A_772, %mul3A_778 : vector<16xf32>
      %mul3A_780 = arith.mulf %min3A_775, %sub3A_779 : vector<16xf32>
      %add3A_781 = arith.addf %add3A_760, %mul3A_780 : vector<16xf32>
      %mul3A_782 = arith.mulf %max3A_698, %add3A_781 : vector<16xf32>
      %add3A_783 = arith.addf %scan3A_42, %mul3A_782 : vector<16xf32>
      %add3A_784 = arith.constant 112 : i32
      %add3A_785 = arith.addi %mul3A_45, %add3A_784 : i32
      %get3A_786 = arith.index_cast %add3A_785 : i32 to index
      %get3A_787 = tpu.vector_load %arg6[%get3A_786] {strides = array<i32>} : memref<8192xf32, #tpu.memory_space<vmem>>, vector<16xf32>,
      %get3A_788 = vector.shape_cast %get3A_787 : vector<16xf32> to vector<16xf32>
      %sign3A_789 = tpu.bitcast %get3A_788 : vector<16xf32> -> vector<16xi32>
      %sign3A_790 = arith.constant -2147483648 : i32
      %sign3A_791 = vector.broadcast %sign3A_790 : i32 to vector<16xi32>
      %sign3A_792 = arith.andi %sign3A_789, %sign3A_791 : vector<16xi32>
      %sign3A_793 = arith.constant 1065353216 : i32
      %sign3A_794 = vector.broadcast %sign3A_793 : i32 to vector<16xi32>
      %sign3A_795 = arith.ori %sign3A_794, %sign3A_792 : vector<16xi32>
      %sign3A_796 = tpu.bitcast %sign3A_795 : vector<16xi32> -> vector<16xf32>
      %sign3A_797 = math.absf %get3A_788 : vector<16xf32>
      %sign3A_798 = arith.constant 0.000000e+00 : f32
      %sign3A_799 = vector.broadcast %sign3A_798 : f32 to vector<16xf32>
      %sign3A_800 = arith.cmpf ogt, %sign3A_797, %sign3A_799 : vector<16xf32>
      %sign3A_801 = arith.select %sign3A_800, %sign3A_796, %get3A_788 : vector<16xi1>, vector<16xf32>
      %max3A_802 = arith.constant 0.000000e+00 : f32
      %max3A_803 = vector.broadcast %max3A_802 : f32 to vector<16xf32>
      %max3A_804 = arith.maximumf %sign3A_801, %max3A_803 : vector<16xf32>
      %add3A_805 = arith.constant 0 : i32
      %add3A_806 = arith.addi %mul3A_47, %add3A_805 : i32
      %add3A_807 = arith.constant 112 : i32
      %add3A_808 = arith.addi %add3A_806, %add3A_807 : i32
      %get3A_809 = arith.index_cast %add3A_808 : i32 to index
      %get3A_810 = tpu.vector_load %arg8[%get3A_809] {strides = array<i32>} : memref<32768xf32, #tpu.memory_space<vmem>>, vector<16xf32>,
      %get3A_811 = vector.shape_cast %get3A_810 : vector<16xf32> to vector<16xf32>
      %get3A_812 = arith.index_cast %add3A_808 : i32 to index
      %get3A_813 = tpu.vector_load %arg7[%get3A_812] {strides = array<i32>} : memref<32768xf32, #tpu.memory_space<vmem>>, vector<16xf32>,
      %get3A_814 = vector.shape_cast %get3A_813 : vector<16xf32> to vector<16xf32>
      %sub3A_815 = arith.subf %get3A_811, %get3A_814 : vector<16xf32>
      %abs3A_816 = math.absf %sub3A_815 : vector<16xf32>
      %min3A_817 = arith.constant 1.000000e+00 : f32
      %min3A_818 = vector.broadcast %min3A_817 : f32 to vector<16xf32>
      %min3A_819 = arith.minimumf %abs3A_816, %min3A_818 : vector<16xf32>
      %mul3A_820 = arith.constant 5.000000e-01 : f32
      %mul3A_821 = vector.broadcast %mul3A_820 : f32 to vector<16xf32>
      %mul3A_822 = arith.mulf %mul3A_821, %min3A_819 : vector<16xf32>
      %sub3A_823 = arith.subf %abs3A_816, %mul3A_822 : vector<16xf32>
      %mul3A_824 = arith.mulf %min3A_819, %sub3A_823 : vector<16xf32>
      %add3A_825 = arith.constant 128 : i32
      %add3A_826 = arith.addi %mul3A_47, %add3A_825 : i32
      %add3A_827 = arith.constant 112 : i32
      %add3A_828 = arith.addi %add3A_826, %add3A_827 : i32
      %get3A_829 = arith.index_cast %add3A_828 : i32 to index
      %get3A_830 = tpu.vector_load %arg8[%get3A_829] {strides = array<i32>} : memref<32768xf32, #tpu.memory_space<vmem>>, vector<16xf32>,
      %get3A_831 = vector.shape_cast %get3A_830 : vector<16xf32> to vector<16xf32>
      %get3A_832 = arith.index_cast %add3A_828 : i32 to index
      %get3A_833 = tpu.vector_load %arg7[%get3A_832] {strides = array<i32>} : memref<32768xf32, #tpu.memory_space<vmem>>, vector<16xf32>,
      %get3A_834 = vector.shape_cast %get3A_833 : vector<16xf32> to vector<16xf32>
      %sub3A_835 = arith.subf %get3A_831, %get3A_834 : vector<16xf32>
      %abs3A_836 = math.absf %sub3A_835 : vector<16xf32>
      %min3A_837 = arith.constant 1.000000e+00 : f32
      %min3A_838 = vector.broadcast %min3A_837 : f32 to vector<16xf32>
      %min3A_839 = arith.minimumf %abs3A_836, %min3A_838 : vector<16xf32>
      %mul3A_840 = arith.constant 5.000000e-01 : f32
      %mul3A_841 = vector.broadcast %mul3A_840 : f32 to vector<16xf32>
      %mul3A_842 = arith.mulf %mul3A_841, %min3A_839 : vector<16xf32>
      %sub3A_843 = arith.subf %abs3A_836, %mul3A_842 : vector<16xf32>
      %mul3A_844 = arith.mulf %min3A_839, %sub3A_843 : vector<16xf32>
      %add3A_845 = arith.addf %mul3A_824, %mul3A_844 : vector<16xf32>
      %add3A_846 = arith.constant 256 : i32
      %add3A_847 = arith.addi %mul3A_47, %add3A_846 : i32
      %add3A_848 = arith.constant 112 : i32
      %add3A_849 = arith.addi %add3A_847, %add3A_848 : i32
      %get3A_850 = arith.index_cast %add3A_849 : i32 to index
      %get3A_851 = tpu.vector_load %arg8[%get3A_850] {strides = array<i32>} : memref<32768xf32, #tpu.memory_space<vmem>>, vector<16xf32>,
      %get3A_852 = vector.shape_cast %get3A_851 : vector<16xf32> to vector<16xf32>
      %get3A_853 = arith.index_cast %add3A_849 : i32 to index
      %get3A_854 = tpu.vector_load %arg7[%get3A_853] {strides = array<i32>} : memref<32768xf32, #tpu.memory_space<vmem>>, vector<16xf32>,
      %get3A_855 = vector.shape_cast %get3A_854 : vector<16xf32> to vector<16xf32>
      %sub3A_856 = arith.subf %get3A_852, %get3A_855 : vector<16xf32>
      %abs3A_857 = math.absf %sub3A_856 : vector<16xf32>
      %min3A_858 = arith.constant 1.000000e+00 : f32
      %min3A_859 = vector.broadcast %min3A_858 : f32 to vector<16xf32>
      %min3A_860 = arith.minimumf %abs3A_857, %min3A_859 : vector<16xf32>
      %mul3A_861 = arith.constant 5.000000e-01 : f32
      %mul3A_862 = vector.broadcast %mul3A_861 : f32 to vector<16xf32>
      %mul3A_863 = arith.mulf %mul3A_862, %min3A_860 : vector<16xf32>
      %sub3A_864 = arith.subf %abs3A_857, %mul3A_863 : vector<16xf32>
      %mul3A_865 = arith.mulf %min3A_860, %sub3A_864 : vector<16xf32>
      %add3A_866 = arith.addf %add3A_845, %mul3A_865 : vector<16xf32>
      %add3A_867 = arith.constant 384 : i32
      %add3A_868 = arith.addi %mul3A_47, %add3A_867 : i32
      %add3A_869 = arith.constant 112 : i32
      %add3A_870 = arith.addi %add3A_868, %add3A_869 : i32
      %get3A_871 = arith.index_cast %add3A_870 : i32 to index
      %get3A_872 = tpu.vector_load %arg8[%get3A_871] {strides = array<i32>} : memref<32768xf32, #tpu.memory_space<vmem>>, vector<16xf32>,
      %get3A_873 = vector.shape_cast %get3A_872 : vector<16xf32> to vector<16xf32>
      %get3A_874 = arith.index_cast %add3A_870 : i32 to index
      %get3A_875 = tpu.vector_load %arg7[%get3A_874] {strides = array<i32>} : memref<32768xf32, #tpu.memory_space<vmem>>, vector<16xf32>,
      %get3A_876 = vector.shape_cast %get3A_875 : vector<16xf32> to vector<16xf32>
      %sub3A_877 = arith.subf %get3A_873, %get3A_876 : vector<16xf32>
      %abs3A_878 = math.absf %sub3A_877 : vector<16xf32>
      %min3A_879 = arith.constant 1.000000e+00 : f32
      %min3A_880 = vector.broadcast %min3A_879 : f32 to vector<16xf32>
      %min3A_881 = arith.minimumf %abs3A_878, %min3A_880 : vector<16xf32>
      %mul3A_882 = arith.constant 5.000000e-01 : f32
      %mul3A_883 = vector.broadcast %mul3A_882 : f32 to vector<16xf32>
      %mul3A_884 = arith.mulf %mul3A_883, %min3A_881 : vector<16xf32>
      %sub3A_885 = arith.subf %abs3A_878, %mul3A_884 : vector<16xf32>
      %mul3A_886 = arith.mulf %min3A_881, %sub3A_885 : vector<16xf32>
      %add3A_887 = arith.addf %add3A_866, %mul3A_886 : vector<16xf32>
      %mul3A_888 = arith.mulf %max3A_804, %add3A_887 : vector<16xf32>
      %add3A_889 = arith.addf %scan3A_43, %mul3A_888 : vector<16xf32>
      scf.yield %add3A_147, %add3A_253, %add3A_359, %add3A_465, %add3A_571, %add3A_677, %add3A_783, %add3A_889 : vector<16xf32>, vector<16xf32>, vector<16xf32>, vector<16xf32>, vector<16xf32>, vector<16xf32>, vector<16xf32>, vector<16xf32>
    }
    %scan3A_24 = arith.constant 64 : i32
    %add3A_25 = arith.addf %scan3A_23#0, %scan3A_23#1 : vector<16xf32>
    %add3A_26 = arith.addf %add3A_25, %scan3A_23#2 : vector<16xf32>
    %add3A_27 = arith.addf %add3A_26, %scan3A_23#3 : vector<16xf32>
    %add3A_28 = arith.addf %add3A_27, %scan3A_23#4 : vector<16xf32>
    %add3A_29 = arith.addf %add3A_28, %scan3A_23#5 : vector<16xf32>
    %add3A_30 = arith.addf %add3A_29, %scan3A_23#6 : vector<16xf32>
    %add3A_31 = arith.addf %add3A_30, %scan3A_23#7 : vector<16xf32>
    %swap3A = arith.constant 0 : index
    %swap3A_32 = tpu.vector_load %arg9[%swap3A] {strides = array<i32>} : memref<16xf32, #tpu.memory_space<vmem>>, vector<16xf32>,
    %swap3A_33 = vector.shape_cast %swap3A_32 : vector<16xf32> to vector<16xf32>
    %swap3A_34 = vector.shape_cast %add3A_31 : vector<16xf32> to vector<16xf32>
    tpu.vector_store %arg9[%swap3A], %swap3A_34 {strides = array<i32>} : memref<16xf32, #tpu.memory_space<vmem>>, vector<16xf32>,
    "tpu.region"() ({
      %run_scoped3A = tpu.sem_alloc : memref<!tpu.dma_semaphore, #tpu.memory_space<semaphore_mem>>
      %dma_start3A = arith.constant 0 : i32
      %dma_start3A_35 = tpu.memref_slice %arg5[%add3A, %dma_start3A] : memref<32x16xf32, #tpu.memory_space<hbm>> -> memref<1x16xf32, #tpu.memory_space<hbm>>
      %dma_start3A_36 = tpu.memref_squeeze %dma_start3A_35 : memref<1x16xf32, #tpu.memory_space<hbm>> -> memref<16xf32, #tpu.memory_space<hbm>>
      %dma_start3A_37 = arith.constant 0 : i32
      %dma_start3A_38 = tpu.memref_slice %arg5[%add3A, %dma_start3A_37] : memref<32x16xf32, #tpu.memory_space<hbm>> -> memref<1x16xf32, #tpu.memory_space<hbm>>
      %dma_start3A_39 = tpu.memref_squeeze %dma_start3A_38 : memref<1x16xf32, #tpu.memory_space<hbm>> -> memref<16xf32, #tpu.memory_space<hbm>>
      tpu.enqueue_dma source(%arg9 : memref<16xf32, #tpu.memory_space<vmem>>) target(%dma_start3A_39 : memref<16xf32, #tpu.memory_space<hbm>>) target_semaphore(%run_scoped3A : memref<!tpu.dma_semaphore, #tpu.memory_space<semaphore_mem>>)
      %dma_wait3A = arith.constant 0 : i32
      %dma_wait3A_40 = tpu.memref_slice %arg5[%add3A, %dma_wait3A] : memref<32x16xf32, #tpu.memory_space<hbm>> -> memref<1x16xf32, #tpu.memory_space<hbm>>
      %dma_wait3A_41 = tpu.memref_squeeze %dma_wait3A_40 : memref<1x16xf32, #tpu.memory_space<hbm>> -> memref<16xf32, #tpu.memory_space<hbm>>
      %dma_wait3A_42 = arith.constant 0 : i32
      %dma_wait3A_43 = tpu.memref_slice %arg5[%add3A, %dma_wait3A_42] : memref<32x16xf32, #tpu.memory_space<hbm>> -> memref<1x16xf32, #tpu.memory_space<hbm>>
      %dma_wait3A_44 = tpu.memref_squeeze %dma_wait3A_43 : memref<1x16xf32, #tpu.memory_space<hbm>> -> memref<16xf32, #tpu.memory_space<hbm>>
      tpu.wait_dma2 semaphore(%run_scoped3A : memref<!tpu.dma_semaphore, #tpu.memory_space<semaphore_mem>>) src(%arg9 : memref<16xf32, #tpu.memory_space<vmem>>) dst(%dma_wait3A_44 : memref<16xf32, #tpu.memory_space<hbm>>)
      tpu.yield
    }) : () -> ()
    return
  }
}

module attributes {stable_mosaic.version = 14 : i64} {
  func.func @_cls_kernel(%arg0: i32, %arg1: memref<512x128xf32, #tpu.memory_space<vmem>>, %arg2: memref<512x128xf32, #tpu.memory_space<vmem>>, %arg3: memref<1x2xf32, #tpu.memory_space<smem>>, %arg4: memref<32x128xf32, #tpu.memory_space<vmem>>, %arg5: memref<32x128xf32, #tpu.memory_space<vmem>>, %arg6: memref<32x128xf32, #tpu.memory_space<vmem>>) attributes {dimension_semantics = [#tpu.dimension_semantics<arbitrary>], iteration_bounds = array<i64: 4>, scalar_prefetch = 0 : i64, scratch_operands = 3 : i64, tpu.core_type = #tpu.core_type<tc>, window_params = [{transform_indices = @transform_0, window_bounds = array<i64: 512, 128>}, {transform_indices = @transform_1, window_bounds = array<i64: 512, 128>}, {transform_indices = @transform_2, window_bounds = array<i64: 1, 2>}]} {
    %broadcast_in_dim3A = arith.constant 0.000000e+00 : f32
    %broadcast_in_dim3A_0 = vector.broadcast %broadcast_in_dim3A : f32 to vector<32x128xf32>
    %broadcast_in_dim3A_1 = arith.constant 0.000000e+00 : f32
    %broadcast_in_dim3A_2 = vector.broadcast %broadcast_in_dim3A_1 : f32 to vector<32x128xf32>
    %broadcast_in_dim3A_3 = arith.constant 0.000000e+00 : f32
    %broadcast_in_dim3A_4 = vector.broadcast %broadcast_in_dim3A_3 : f32 to vector<32x128xf32>
    %get3A = arith.constant 0 : index
    %get3A_5 = arith.constant 0 : index
    %get3A_6 = vector.load %arg1[%get3A, %get3A_5] : memref<512x128xf32, #tpu.memory_space<vmem>>, vector<32x128xf32>
    %get3A_7 = arith.constant 0 : index
    %get3A_8 = arith.constant 0 : index
    %get3A_9 = vector.load %arg2[%get3A_7, %get3A_8] : memref<512x128xf32, #tpu.memory_space<vmem>>, vector<32x128xf32>
    %ne3A = arith.constant -1.000000e+00 : f32
    %ne3A_10 = vector.broadcast %ne3A : f32 to vector<32x128xf32>
    %ne3A_11 = arith.cmpf one, %get3A_6, %ne3A_10 : vector<32x128xf32>
    %convert_element_type3A = arith.extui %ne3A_11 : vector<32x128xi1> to vector<32x128xi32>
    %convert_element_type3A_12 = arith.sitofp %convert_element_type3A : vector<32x128xi32> to vector<32x128xf32>
    %gt3A = arith.constant 0.000000e+00 : f32
    %gt3A_13 = vector.broadcast %gt3A : f32 to vector<32x128xf32>
    %gt3A_14 = arith.cmpf ogt, %get3A_6, %gt3A_13 : vector<32x128xf32>
    %jit3A = arith.constant 1.000000e-07 : f32
    %jit3A_15 = arith.constant 0.99999988 : f32
    %max3A = vector.broadcast %jit3A : f32 to vector<32x128xf32>
    %max3A_16 = arith.maximumf %max3A, %get3A_9 : vector<32x128xf32>
    %min3A = vector.broadcast %jit3A_15 : f32 to vector<32x128xf32>
    %min3A_17 = arith.minimumf %min3A, %max3A_16 : vector<32x128xf32>
    %sub3A = arith.constant 1.000000e+00 : f32
    %sub3A_18 = vector.broadcast %sub3A : f32 to vector<32x128xf32>
    %sub3A_19 = arith.subf %sub3A_18, %min3A_17 : vector<32x128xf32>
    %select_n3A = arith.select %gt3A_14, %min3A_17, %sub3A_19 : vector<32x128xi1>, vector<32x128xf32>
    %log3A = math.log %select_n3A : vector<32x128xf32>
    %neg3A = arith.constant 0.000000e+00 : f32
    %neg3A_20 = vector.broadcast %neg3A : f32 to vector<32x128xf32>
    %neg3A_21 = arith.subf %neg3A_20, %log3A : vector<32x128xf32>
    %mul3A = arith.mulf %neg3A_21, %convert_element_type3A_12 : vector<32x128xf32>
    %add3A = arith.addf %broadcast_in_dim3A_0, %mul3A : vector<32x128xf32>
    %add3A_22 = arith.addf %broadcast_in_dim3A_2, %convert_element_type3A_12 : vector<32x128xf32>
    %convert_element_type3A_23 = arith.extui %gt3A_14 : vector<32x128xi1> to vector<32x128xi32>
    %convert_element_type3A_24 = arith.sitofp %convert_element_type3A_23 : vector<32x128xi32> to vector<32x128xf32>
    %add3A_25 = arith.addf %broadcast_in_dim3A_4, %convert_element_type3A_24 : vector<32x128xf32>
    %get3A_26 = arith.constant 32 : index
    %get3A_27 = arith.constant 0 : index
    %get3A_28 = vector.load %arg1[%get3A_26, %get3A_27] : memref<512x128xf32, #tpu.memory_space<vmem>>, vector<32x128xf32>
    %get3A_29 = arith.constant 32 : index
    %get3A_30 = arith.constant 0 : index
    %get3A_31 = vector.load %arg2[%get3A_29, %get3A_30] : memref<512x128xf32, #tpu.memory_space<vmem>>, vector<32x128xf32>
    %ne3A_32 = arith.constant -1.000000e+00 : f32
    %ne3A_33 = vector.broadcast %ne3A_32 : f32 to vector<32x128xf32>
    %ne3A_34 = arith.cmpf one, %get3A_28, %ne3A_33 : vector<32x128xf32>
    %convert_element_type3A_35 = arith.extui %ne3A_34 : vector<32x128xi1> to vector<32x128xi32>
    %convert_element_type3A_36 = arith.sitofp %convert_element_type3A_35 : vector<32x128xi32> to vector<32x128xf32>
    %gt3A_37 = arith.constant 0.000000e+00 : f32
    %gt3A_38 = vector.broadcast %gt3A_37 : f32 to vector<32x128xf32>
    %gt3A_39 = arith.cmpf ogt, %get3A_28, %gt3A_38 : vector<32x128xf32>
    %jit3A_40 = arith.constant 1.000000e-07 : f32
    %jit3A_41 = arith.constant 0.99999988 : f32
    %max3A_42 = vector.broadcast %jit3A_40 : f32 to vector<32x128xf32>
    %max3A_43 = arith.maximumf %max3A_42, %get3A_31 : vector<32x128xf32>
    %min3A_44 = vector.broadcast %jit3A_41 : f32 to vector<32x128xf32>
    %min3A_45 = arith.minimumf %min3A_44, %max3A_43 : vector<32x128xf32>
    %sub3A_46 = arith.constant 1.000000e+00 : f32
    %sub3A_47 = vector.broadcast %sub3A_46 : f32 to vector<32x128xf32>
    %sub3A_48 = arith.subf %sub3A_47, %min3A_45 : vector<32x128xf32>
    %select_n3A_49 = arith.select %gt3A_39, %min3A_45, %sub3A_48 : vector<32x128xi1>, vector<32x128xf32>
    %log3A_50 = math.log %select_n3A_49 : vector<32x128xf32>
    %neg3A_51 = arith.constant 0.000000e+00 : f32
    %neg3A_52 = vector.broadcast %neg3A_51 : f32 to vector<32x128xf32>
    %neg3A_53 = arith.subf %neg3A_52, %log3A_50 : vector<32x128xf32>
    %mul3A_54 = arith.mulf %neg3A_53, %convert_element_type3A_36 : vector<32x128xf32>
    %add3A_55 = arith.addf %add3A, %mul3A_54 : vector<32x128xf32>
    %add3A_56 = arith.addf %add3A_22, %convert_element_type3A_36 : vector<32x128xf32>
    %convert_element_type3A_57 = arith.extui %gt3A_39 : vector<32x128xi1> to vector<32x128xi32>
    %convert_element_type3A_58 = arith.sitofp %convert_element_type3A_57 : vector<32x128xi32> to vector<32x128xf32>
    %add3A_59 = arith.addf %add3A_25, %convert_element_type3A_58 : vector<32x128xf32>
    %get3A_60 = arith.constant 64 : index
    %get3A_61 = arith.constant 0 : index
    %get3A_62 = vector.load %arg1[%get3A_60, %get3A_61] : memref<512x128xf32, #tpu.memory_space<vmem>>, vector<32x128xf32>
    %get3A_63 = arith.constant 64 : index
    %get3A_64 = arith.constant 0 : index
    %get3A_65 = vector.load %arg2[%get3A_63, %get3A_64] : memref<512x128xf32, #tpu.memory_space<vmem>>, vector<32x128xf32>
    %ne3A_66 = arith.constant -1.000000e+00 : f32
    %ne3A_67 = vector.broadcast %ne3A_66 : f32 to vector<32x128xf32>
    %ne3A_68 = arith.cmpf one, %get3A_62, %ne3A_67 : vector<32x128xf32>
    %convert_element_type3A_69 = arith.extui %ne3A_68 : vector<32x128xi1> to vector<32x128xi32>
    %convert_element_type3A_70 = arith.sitofp %convert_element_type3A_69 : vector<32x128xi32> to vector<32x128xf32>
    %gt3A_71 = arith.constant 0.000000e+00 : f32
    %gt3A_72 = vector.broadcast %gt3A_71 : f32 to vector<32x128xf32>
    %gt3A_73 = arith.cmpf ogt, %get3A_62, %gt3A_72 : vector<32x128xf32>
    %jit3A_74 = arith.constant 1.000000e-07 : f32
    %jit3A_75 = arith.constant 0.99999988 : f32
    %max3A_76 = vector.broadcast %jit3A_74 : f32 to vector<32x128xf32>
    %max3A_77 = arith.maximumf %max3A_76, %get3A_65 : vector<32x128xf32>
    %min3A_78 = vector.broadcast %jit3A_75 : f32 to vector<32x128xf32>
    %min3A_79 = arith.minimumf %min3A_78, %max3A_77 : vector<32x128xf32>
    %sub3A_80 = arith.constant 1.000000e+00 : f32
    %sub3A_81 = vector.broadcast %sub3A_80 : f32 to vector<32x128xf32>
    %sub3A_82 = arith.subf %sub3A_81, %min3A_79 : vector<32x128xf32>
    %select_n3A_83 = arith.select %gt3A_73, %min3A_79, %sub3A_82 : vector<32x128xi1>, vector<32x128xf32>
    %log3A_84 = math.log %select_n3A_83 : vector<32x128xf32>
    %neg3A_85 = arith.constant 0.000000e+00 : f32
    %neg3A_86 = vector.broadcast %neg3A_85 : f32 to vector<32x128xf32>
    %neg3A_87 = arith.subf %neg3A_86, %log3A_84 : vector<32x128xf32>
    %mul3A_88 = arith.mulf %neg3A_87, %convert_element_type3A_70 : vector<32x128xf32>
    %add3A_89 = arith.addf %add3A_55, %mul3A_88 : vector<32x128xf32>
    %add3A_90 = arith.addf %add3A_56, %convert_element_type3A_70 : vector<32x128xf32>
    %convert_element_type3A_91 = arith.extui %gt3A_73 : vector<32x128xi1> to vector<32x128xi32>
    %convert_element_type3A_92 = arith.sitofp %convert_element_type3A_91 : vector<32x128xi32> to vector<32x128xf32>
    %add3A_93 = arith.addf %add3A_59, %convert_element_type3A_92 : vector<32x128xf32>
    %get3A_94 = arith.constant 96 : index
    %get3A_95 = arith.constant 0 : index
    %get3A_96 = vector.load %arg1[%get3A_94, %get3A_95] : memref<512x128xf32, #tpu.memory_space<vmem>>, vector<32x128xf32>
    %get3A_97 = arith.constant 96 : index
    %get3A_98 = arith.constant 0 : index
    %get3A_99 = vector.load %arg2[%get3A_97, %get3A_98] : memref<512x128xf32, #tpu.memory_space<vmem>>, vector<32x128xf32>
    %ne3A_100 = arith.constant -1.000000e+00 : f32
    %ne3A_101 = vector.broadcast %ne3A_100 : f32 to vector<32x128xf32>
    %ne3A_102 = arith.cmpf one, %get3A_96, %ne3A_101 : vector<32x128xf32>
    %convert_element_type3A_103 = arith.extui %ne3A_102 : vector<32x128xi1> to vector<32x128xi32>
    %convert_element_type3A_104 = arith.sitofp %convert_element_type3A_103 : vector<32x128xi32> to vector<32x128xf32>
    %gt3A_105 = arith.constant 0.000000e+00 : f32
    %gt3A_106 = vector.broadcast %gt3A_105 : f32 to vector<32x128xf32>
    %gt3A_107 = arith.cmpf ogt, %get3A_96, %gt3A_106 : vector<32x128xf32>
    %jit3A_108 = arith.constant 1.000000e-07 : f32
    %jit3A_109 = arith.constant 0.99999988 : f32
    %max3A_110 = vector.broadcast %jit3A_108 : f32 to vector<32x128xf32>
    %max3A_111 = arith.maximumf %max3A_110, %get3A_99 : vector<32x128xf32>
    %min3A_112 = vector.broadcast %jit3A_109 : f32 to vector<32x128xf32>
    %min3A_113 = arith.minimumf %min3A_112, %max3A_111 : vector<32x128xf32>
    %sub3A_114 = arith.constant 1.000000e+00 : f32
    %sub3A_115 = vector.broadcast %sub3A_114 : f32 to vector<32x128xf32>
    %sub3A_116 = arith.subf %sub3A_115, %min3A_113 : vector<32x128xf32>
    %select_n3A_117 = arith.select %gt3A_107, %min3A_113, %sub3A_116 : vector<32x128xi1>, vector<32x128xf32>
    %log3A_118 = math.log %select_n3A_117 : vector<32x128xf32>
    %neg3A_119 = arith.constant 0.000000e+00 : f32
    %neg3A_120 = vector.broadcast %neg3A_119 : f32 to vector<32x128xf32>
    %neg3A_121 = arith.subf %neg3A_120, %log3A_118 : vector<32x128xf32>
    %mul3A_122 = arith.mulf %neg3A_121, %convert_element_type3A_104 : vector<32x128xf32>
    %add3A_123 = arith.addf %add3A_89, %mul3A_122 : vector<32x128xf32>
    %add3A_124 = arith.addf %add3A_90, %convert_element_type3A_104 : vector<32x128xf32>
    %convert_element_type3A_125 = arith.extui %gt3A_107 : vector<32x128xi1> to vector<32x128xi32>
    %convert_element_type3A_126 = arith.sitofp %convert_element_type3A_125 : vector<32x128xi32> to vector<32x128xf32>
    %add3A_127 = arith.addf %add3A_93, %convert_element_type3A_126 : vector<32x128xf32>
    %get3A_128 = arith.constant 128 : index
    %get3A_129 = arith.constant 0 : index
    %get3A_130 = vector.load %arg1[%get3A_128, %get3A_129] : memref<512x128xf32, #tpu.memory_space<vmem>>, vector<32x128xf32>
    %get3A_131 = arith.constant 128 : index
    %get3A_132 = arith.constant 0 : index
    %get3A_133 = vector.load %arg2[%get3A_131, %get3A_132] : memref<512x128xf32, #tpu.memory_space<vmem>>, vector<32x128xf32>
    %ne3A_134 = arith.constant -1.000000e+00 : f32
    %ne3A_135 = vector.broadcast %ne3A_134 : f32 to vector<32x128xf32>
    %ne3A_136 = arith.cmpf one, %get3A_130, %ne3A_135 : vector<32x128xf32>
    %convert_element_type3A_137 = arith.extui %ne3A_136 : vector<32x128xi1> to vector<32x128xi32>
    %convert_element_type3A_138 = arith.sitofp %convert_element_type3A_137 : vector<32x128xi32> to vector<32x128xf32>
    %gt3A_139 = arith.constant 0.000000e+00 : f32
    %gt3A_140 = vector.broadcast %gt3A_139 : f32 to vector<32x128xf32>
    %gt3A_141 = arith.cmpf ogt, %get3A_130, %gt3A_140 : vector<32x128xf32>
    %jit3A_142 = arith.constant 1.000000e-07 : f32
    %jit3A_143 = arith.constant 0.99999988 : f32
    %max3A_144 = vector.broadcast %jit3A_142 : f32 to vector<32x128xf32>
    %max3A_145 = arith.maximumf %max3A_144, %get3A_133 : vector<32x128xf32>
    %min3A_146 = vector.broadcast %jit3A_143 : f32 to vector<32x128xf32>
    %min3A_147 = arith.minimumf %min3A_146, %max3A_145 : vector<32x128xf32>
    %sub3A_148 = arith.constant 1.000000e+00 : f32
    %sub3A_149 = vector.broadcast %sub3A_148 : f32 to vector<32x128xf32>
    %sub3A_150 = arith.subf %sub3A_149, %min3A_147 : vector<32x128xf32>
    %select_n3A_151 = arith.select %gt3A_141, %min3A_147, %sub3A_150 : vector<32x128xi1>, vector<32x128xf32>
    %log3A_152 = math.log %select_n3A_151 : vector<32x128xf32>
    %neg3A_153 = arith.constant 0.000000e+00 : f32
    %neg3A_154 = vector.broadcast %neg3A_153 : f32 to vector<32x128xf32>
    %neg3A_155 = arith.subf %neg3A_154, %log3A_152 : vector<32x128xf32>
    %mul3A_156 = arith.mulf %neg3A_155, %convert_element_type3A_138 : vector<32x128xf32>
    %add3A_157 = arith.addf %add3A_123, %mul3A_156 : vector<32x128xf32>
    %add3A_158 = arith.addf %add3A_124, %convert_element_type3A_138 : vector<32x128xf32>
    %convert_element_type3A_159 = arith.extui %gt3A_141 : vector<32x128xi1> to vector<32x128xi32>
    %convert_element_type3A_160 = arith.sitofp %convert_element_type3A_159 : vector<32x128xi32> to vector<32x128xf32>
    %add3A_161 = arith.addf %add3A_127, %convert_element_type3A_160 : vector<32x128xf32>
    %get3A_162 = arith.constant 160 : index
    %get3A_163 = arith.constant 0 : index
    %get3A_164 = vector.load %arg1[%get3A_162, %get3A_163] : memref<512x128xf32, #tpu.memory_space<vmem>>, vector<32x128xf32>
    %get3A_165 = arith.constant 160 : index
    %get3A_166 = arith.constant 0 : index
    %get3A_167 = vector.load %arg2[%get3A_165, %get3A_166] : memref<512x128xf32, #tpu.memory_space<vmem>>, vector<32x128xf32>
    %ne3A_168 = arith.constant -1.000000e+00 : f32
    %ne3A_169 = vector.broadcast %ne3A_168 : f32 to vector<32x128xf32>
    %ne3A_170 = arith.cmpf one, %get3A_164, %ne3A_169 : vector<32x128xf32>
    %convert_element_type3A_171 = arith.extui %ne3A_170 : vector<32x128xi1> to vector<32x128xi32>
    %convert_element_type3A_172 = arith.sitofp %convert_element_type3A_171 : vector<32x128xi32> to vector<32x128xf32>
    %gt3A_173 = arith.constant 0.000000e+00 : f32
    %gt3A_174 = vector.broadcast %gt3A_173 : f32 to vector<32x128xf32>
    %gt3A_175 = arith.cmpf ogt, %get3A_164, %gt3A_174 : vector<32x128xf32>
    %jit3A_176 = arith.constant 1.000000e-07 : f32
    %jit3A_177 = arith.constant 0.99999988 : f32
    %max3A_178 = vector.broadcast %jit3A_176 : f32 to vector<32x128xf32>
    %max3A_179 = arith.maximumf %max3A_178, %get3A_167 : vector<32x128xf32>
    %min3A_180 = vector.broadcast %jit3A_177 : f32 to vector<32x128xf32>
    %min3A_181 = arith.minimumf %min3A_180, %max3A_179 : vector<32x128xf32>
    %sub3A_182 = arith.constant 1.000000e+00 : f32
    %sub3A_183 = vector.broadcast %sub3A_182 : f32 to vector<32x128xf32>
    %sub3A_184 = arith.subf %sub3A_183, %min3A_181 : vector<32x128xf32>
    %select_n3A_185 = arith.select %gt3A_175, %min3A_181, %sub3A_184 : vector<32x128xi1>, vector<32x128xf32>
    %log3A_186 = math.log %select_n3A_185 : vector<32x128xf32>
    %neg3A_187 = arith.constant 0.000000e+00 : f32
    %neg3A_188 = vector.broadcast %neg3A_187 : f32 to vector<32x128xf32>
    %neg3A_189 = arith.subf %neg3A_188, %log3A_186 : vector<32x128xf32>
    %mul3A_190 = arith.mulf %neg3A_189, %convert_element_type3A_172 : vector<32x128xf32>
    %add3A_191 = arith.addf %add3A_157, %mul3A_190 : vector<32x128xf32>
    %add3A_192 = arith.addf %add3A_158, %convert_element_type3A_172 : vector<32x128xf32>
    %convert_element_type3A_193 = arith.extui %gt3A_175 : vector<32x128xi1> to vector<32x128xi32>
    %convert_element_type3A_194 = arith.sitofp %convert_element_type3A_193 : vector<32x128xi32> to vector<32x128xf32>
    %add3A_195 = arith.addf %add3A_161, %convert_element_type3A_194 : vector<32x128xf32>
    %get3A_196 = arith.constant 192 : index
    %get3A_197 = arith.constant 0 : index
    %get3A_198 = vector.load %arg1[%get3A_196, %get3A_197] : memref<512x128xf32, #tpu.memory_space<vmem>>, vector<32x128xf32>
    %get3A_199 = arith.constant 192 : index
    %get3A_200 = arith.constant 0 : index
    %get3A_201 = vector.load %arg2[%get3A_199, %get3A_200] : memref<512x128xf32, #tpu.memory_space<vmem>>, vector<32x128xf32>
    %ne3A_202 = arith.constant -1.000000e+00 : f32
    %ne3A_203 = vector.broadcast %ne3A_202 : f32 to vector<32x128xf32>
    %ne3A_204 = arith.cmpf one, %get3A_198, %ne3A_203 : vector<32x128xf32>
    %convert_element_type3A_205 = arith.extui %ne3A_204 : vector<32x128xi1> to vector<32x128xi32>
    %convert_element_type3A_206 = arith.sitofp %convert_element_type3A_205 : vector<32x128xi32> to vector<32x128xf32>
    %gt3A_207 = arith.constant 0.000000e+00 : f32
    %gt3A_208 = vector.broadcast %gt3A_207 : f32 to vector<32x128xf32>
    %gt3A_209 = arith.cmpf ogt, %get3A_198, %gt3A_208 : vector<32x128xf32>
    %jit3A_210 = arith.constant 1.000000e-07 : f32
    %jit3A_211 = arith.constant 0.99999988 : f32
    %max3A_212 = vector.broadcast %jit3A_210 : f32 to vector<32x128xf32>
    %max3A_213 = arith.maximumf %max3A_212, %get3A_201 : vector<32x128xf32>
    %min3A_214 = vector.broadcast %jit3A_211 : f32 to vector<32x128xf32>
    %min3A_215 = arith.minimumf %min3A_214, %max3A_213 : vector<32x128xf32>
    %sub3A_216 = arith.constant 1.000000e+00 : f32
    %sub3A_217 = vector.broadcast %sub3A_216 : f32 to vector<32x128xf32>
    %sub3A_218 = arith.subf %sub3A_217, %min3A_215 : vector<32x128xf32>
    %select_n3A_219 = arith.select %gt3A_209, %min3A_215, %sub3A_218 : vector<32x128xi1>, vector<32x128xf32>
    %log3A_220 = math.log %select_n3A_219 : vector<32x128xf32>
    %neg3A_221 = arith.constant 0.000000e+00 : f32
    %neg3A_222 = vector.broadcast %neg3A_221 : f32 to vector<32x128xf32>
    %neg3A_223 = arith.subf %neg3A_222, %log3A_220 : vector<32x128xf32>
    %mul3A_224 = arith.mulf %neg3A_223, %convert_element_type3A_206 : vector<32x128xf32>
    %add3A_225 = arith.addf %add3A_191, %mul3A_224 : vector<32x128xf32>
    %add3A_226 = arith.addf %add3A_192, %convert_element_type3A_206 : vector<32x128xf32>
    %convert_element_type3A_227 = arith.extui %gt3A_209 : vector<32x128xi1> to vector<32x128xi32>
    %convert_element_type3A_228 = arith.sitofp %convert_element_type3A_227 : vector<32x128xi32> to vector<32x128xf32>
    %add3A_229 = arith.addf %add3A_195, %convert_element_type3A_228 : vector<32x128xf32>
    %get3A_230 = arith.constant 224 : index
    %get3A_231 = arith.constant 0 : index
    %get3A_232 = vector.load %arg1[%get3A_230, %get3A_231] : memref<512x128xf32, #tpu.memory_space<vmem>>, vector<32x128xf32>
    %get3A_233 = arith.constant 224 : index
    %get3A_234 = arith.constant 0 : index
    %get3A_235 = vector.load %arg2[%get3A_233, %get3A_234] : memref<512x128xf32, #tpu.memory_space<vmem>>, vector<32x128xf32>
    %ne3A_236 = arith.constant -1.000000e+00 : f32
    %ne3A_237 = vector.broadcast %ne3A_236 : f32 to vector<32x128xf32>
    %ne3A_238 = arith.cmpf one, %get3A_232, %ne3A_237 : vector<32x128xf32>
    %convert_element_type3A_239 = arith.extui %ne3A_238 : vector<32x128xi1> to vector<32x128xi32>
    %convert_element_type3A_240 = arith.sitofp %convert_element_type3A_239 : vector<32x128xi32> to vector<32x128xf32>
    %gt3A_241 = arith.constant 0.000000e+00 : f32
    %gt3A_242 = vector.broadcast %gt3A_241 : f32 to vector<32x128xf32>
    %gt3A_243 = arith.cmpf ogt, %get3A_232, %gt3A_242 : vector<32x128xf32>
    %jit3A_244 = arith.constant 1.000000e-07 : f32
    %jit3A_245 = arith.constant 0.99999988 : f32
    %max3A_246 = vector.broadcast %jit3A_244 : f32 to vector<32x128xf32>
    %max3A_247 = arith.maximumf %max3A_246, %get3A_235 : vector<32x128xf32>
    %min3A_248 = vector.broadcast %jit3A_245 : f32 to vector<32x128xf32>
    %min3A_249 = arith.minimumf %min3A_248, %max3A_247 : vector<32x128xf32>
    %sub3A_250 = arith.constant 1.000000e+00 : f32
    %sub3A_251 = vector.broadcast %sub3A_250 : f32 to vector<32x128xf32>
    %sub3A_252 = arith.subf %sub3A_251, %min3A_249 : vector<32x128xf32>
    %select_n3A_253 = arith.select %gt3A_243, %min3A_249, %sub3A_252 : vector<32x128xi1>, vector<32x128xf32>
    %log3A_254 = math.log %select_n3A_253 : vector<32x128xf32>
    %neg3A_255 = arith.constant 0.000000e+00 : f32
    %neg3A_256 = vector.broadcast %neg3A_255 : f32 to vector<32x128xf32>
    %neg3A_257 = arith.subf %neg3A_256, %log3A_254 : vector<32x128xf32>
    %mul3A_258 = arith.mulf %neg3A_257, %convert_element_type3A_240 : vector<32x128xf32>
    %add3A_259 = arith.addf %add3A_225, %mul3A_258 : vector<32x128xf32>
    %add3A_260 = arith.addf %add3A_226, %convert_element_type3A_240 : vector<32x128xf32>
    %convert_element_type3A_261 = arith.extui %gt3A_243 : vector<32x128xi1> to vector<32x128xi32>
    %convert_element_type3A_262 = arith.sitofp %convert_element_type3A_261 : vector<32x128xi32> to vector<32x128xf32>
    %add3A_263 = arith.addf %add3A_229, %convert_element_type3A_262 : vector<32x128xf32>
    %get3A_264 = arith.constant 256 : index
    %get3A_265 = arith.constant 0 : index
    %get3A_266 = vector.load %arg1[%get3A_264, %get3A_265] : memref<512x128xf32, #tpu.memory_space<vmem>>, vector<32x128xf32>
    %get3A_267 = arith.constant 256 : index
    %get3A_268 = arith.constant 0 : index
    %get3A_269 = vector.load %arg2[%get3A_267, %get3A_268] : memref<512x128xf32, #tpu.memory_space<vmem>>, vector<32x128xf32>
    %ne3A_270 = arith.constant -1.000000e+00 : f32
    %ne3A_271 = vector.broadcast %ne3A_270 : f32 to vector<32x128xf32>
    %ne3A_272 = arith.cmpf one, %get3A_266, %ne3A_271 : vector<32x128xf32>
    %convert_element_type3A_273 = arith.extui %ne3A_272 : vector<32x128xi1> to vector<32x128xi32>
    %convert_element_type3A_274 = arith.sitofp %convert_element_type3A_273 : vector<32x128xi32> to vector<32x128xf32>
    %gt3A_275 = arith.constant 0.000000e+00 : f32
    %gt3A_276 = vector.broadcast %gt3A_275 : f32 to vector<32x128xf32>
    %gt3A_277 = arith.cmpf ogt, %get3A_266, %gt3A_276 : vector<32x128xf32>
    %jit3A_278 = arith.constant 1.000000e-07 : f32
    %jit3A_279 = arith.constant 0.99999988 : f32
    %max3A_280 = vector.broadcast %jit3A_278 : f32 to vector<32x128xf32>
    %max3A_281 = arith.maximumf %max3A_280, %get3A_269 : vector<32x128xf32>
    %min3A_282 = vector.broadcast %jit3A_279 : f32 to vector<32x128xf32>
    %min3A_283 = arith.minimumf %min3A_282, %max3A_281 : vector<32x128xf32>
    %sub3A_284 = arith.constant 1.000000e+00 : f32
    %sub3A_285 = vector.broadcast %sub3A_284 : f32 to vector<32x128xf32>
    %sub3A_286 = arith.subf %sub3A_285, %min3A_283 : vector<32x128xf32>
    %select_n3A_287 = arith.select %gt3A_277, %min3A_283, %sub3A_286 : vector<32x128xi1>, vector<32x128xf32>
    %log3A_288 = math.log %select_n3A_287 : vector<32x128xf32>
    %neg3A_289 = arith.constant 0.000000e+00 : f32
    %neg3A_290 = vector.broadcast %neg3A_289 : f32 to vector<32x128xf32>
    %neg3A_291 = arith.subf %neg3A_290, %log3A_288 : vector<32x128xf32>
    %mul3A_292 = arith.mulf %neg3A_291, %convert_element_type3A_274 : vector<32x128xf32>
    %add3A_293 = arith.addf %add3A_259, %mul3A_292 : vector<32x128xf32>
    %add3A_294 = arith.addf %add3A_260, %convert_element_type3A_274 : vector<32x128xf32>
    %convert_element_type3A_295 = arith.extui %gt3A_277 : vector<32x128xi1> to vector<32x128xi32>
    %convert_element_type3A_296 = arith.sitofp %convert_element_type3A_295 : vector<32x128xi32> to vector<32x128xf32>
    %add3A_297 = arith.addf %add3A_263, %convert_element_type3A_296 : vector<32x128xf32>
    %get3A_298 = arith.constant 288 : index
    %get3A_299 = arith.constant 0 : index
    %get3A_300 = vector.load %arg1[%get3A_298, %get3A_299] : memref<512x128xf32, #tpu.memory_space<vmem>>, vector<32x128xf32>
    %get3A_301 = arith.constant 288 : index
    %get3A_302 = arith.constant 0 : index
    %get3A_303 = vector.load %arg2[%get3A_301, %get3A_302] : memref<512x128xf32, #tpu.memory_space<vmem>>, vector<32x128xf32>
    %ne3A_304 = arith.constant -1.000000e+00 : f32
    %ne3A_305 = vector.broadcast %ne3A_304 : f32 to vector<32x128xf32>
    %ne3A_306 = arith.cmpf one, %get3A_300, %ne3A_305 : vector<32x128xf32>
    %convert_element_type3A_307 = arith.extui %ne3A_306 : vector<32x128xi1> to vector<32x128xi32>
    %convert_element_type3A_308 = arith.sitofp %convert_element_type3A_307 : vector<32x128xi32> to vector<32x128xf32>
    %gt3A_309 = arith.constant 0.000000e+00 : f32
    %gt3A_310 = vector.broadcast %gt3A_309 : f32 to vector<32x128xf32>
    %gt3A_311 = arith.cmpf ogt, %get3A_300, %gt3A_310 : vector<32x128xf32>
    %jit3A_312 = arith.constant 1.000000e-07 : f32
    %jit3A_313 = arith.constant 0.99999988 : f32
    %max3A_314 = vector.broadcast %jit3A_312 : f32 to vector<32x128xf32>
    %max3A_315 = arith.maximumf %max3A_314, %get3A_303 : vector<32x128xf32>
    %min3A_316 = vector.broadcast %jit3A_313 : f32 to vector<32x128xf32>
    %min3A_317 = arith.minimumf %min3A_316, %max3A_315 : vector<32x128xf32>
    %sub3A_318 = arith.constant 1.000000e+00 : f32
    %sub3A_319 = vector.broadcast %sub3A_318 : f32 to vector<32x128xf32>
    %sub3A_320 = arith.subf %sub3A_319, %min3A_317 : vector<32x128xf32>
    %select_n3A_321 = arith.select %gt3A_311, %min3A_317, %sub3A_320 : vector<32x128xi1>, vector<32x128xf32>
    %log3A_322 = math.log %select_n3A_321 : vector<32x128xf32>
    %neg3A_323 = arith.constant 0.000000e+00 : f32
    %neg3A_324 = vector.broadcast %neg3A_323 : f32 to vector<32x128xf32>
    %neg3A_325 = arith.subf %neg3A_324, %log3A_322 : vector<32x128xf32>
    %mul3A_326 = arith.mulf %neg3A_325, %convert_element_type3A_308 : vector<32x128xf32>
    %add3A_327 = arith.addf %add3A_293, %mul3A_326 : vector<32x128xf32>
    %add3A_328 = arith.addf %add3A_294, %convert_element_type3A_308 : vector<32x128xf32>
    %convert_element_type3A_329 = arith.extui %gt3A_311 : vector<32x128xi1> to vector<32x128xi32>
    %convert_element_type3A_330 = arith.sitofp %convert_element_type3A_329 : vector<32x128xi32> to vector<32x128xf32>
    %add3A_331 = arith.addf %add3A_297, %convert_element_type3A_330 : vector<32x128xf32>
    %get3A_332 = arith.constant 320 : index
    %get3A_333 = arith.constant 0 : index
    %get3A_334 = vector.load %arg1[%get3A_332, %get3A_333] : memref<512x128xf32, #tpu.memory_space<vmem>>, vector<32x128xf32>
    %get3A_335 = arith.constant 320 : index
    %get3A_336 = arith.constant 0 : index
    %get3A_337 = vector.load %arg2[%get3A_335, %get3A_336] : memref<512x128xf32, #tpu.memory_space<vmem>>, vector<32x128xf32>
    %ne3A_338 = arith.constant -1.000000e+00 : f32
    %ne3A_339 = vector.broadcast %ne3A_338 : f32 to vector<32x128xf32>
    %ne3A_340 = arith.cmpf one, %get3A_334, %ne3A_339 : vector<32x128xf32>
    %convert_element_type3A_341 = arith.extui %ne3A_340 : vector<32x128xi1> to vector<32x128xi32>
    %convert_element_type3A_342 = arith.sitofp %convert_element_type3A_341 : vector<32x128xi32> to vector<32x128xf32>
    %gt3A_343 = arith.constant 0.000000e+00 : f32
    %gt3A_344 = vector.broadcast %gt3A_343 : f32 to vector<32x128xf32>
    %gt3A_345 = arith.cmpf ogt, %get3A_334, %gt3A_344 : vector<32x128xf32>
    %jit3A_346 = arith.constant 1.000000e-07 : f32
    %jit3A_347 = arith.constant 0.99999988 : f32
    %max3A_348 = vector.broadcast %jit3A_346 : f32 to vector<32x128xf32>
    %max3A_349 = arith.maximumf %max3A_348, %get3A_337 : vector<32x128xf32>
    %min3A_350 = vector.broadcast %jit3A_347 : f32 to vector<32x128xf32>
    %min3A_351 = arith.minimumf %min3A_350, %max3A_349 : vector<32x128xf32>
    %sub3A_352 = arith.constant 1.000000e+00 : f32
    %sub3A_353 = vector.broadcast %sub3A_352 : f32 to vector<32x128xf32>
    %sub3A_354 = arith.subf %sub3A_353, %min3A_351 : vector<32x128xf32>
    %select_n3A_355 = arith.select %gt3A_345, %min3A_351, %sub3A_354 : vector<32x128xi1>, vector<32x128xf32>
    %log3A_356 = math.log %select_n3A_355 : vector<32x128xf32>
    %neg3A_357 = arith.constant 0.000000e+00 : f32
    %neg3A_358 = vector.broadcast %neg3A_357 : f32 to vector<32x128xf32>
    %neg3A_359 = arith.subf %neg3A_358, %log3A_356 : vector<32x128xf32>
    %mul3A_360 = arith.mulf %neg3A_359, %convert_element_type3A_342 : vector<32x128xf32>
    %add3A_361 = arith.addf %add3A_327, %mul3A_360 : vector<32x128xf32>
    %add3A_362 = arith.addf %add3A_328, %convert_element_type3A_342 : vector<32x128xf32>
    %convert_element_type3A_363 = arith.extui %gt3A_345 : vector<32x128xi1> to vector<32x128xi32>
    %convert_element_type3A_364 = arith.sitofp %convert_element_type3A_363 : vector<32x128xi32> to vector<32x128xf32>
    %add3A_365 = arith.addf %add3A_331, %convert_element_type3A_364 : vector<32x128xf32>
    %get3A_366 = arith.constant 352 : index
    %get3A_367 = arith.constant 0 : index
    %get3A_368 = vector.load %arg1[%get3A_366, %get3A_367] : memref<512x128xf32, #tpu.memory_space<vmem>>, vector<32x128xf32>
    %get3A_369 = arith.constant 352 : index
    %get3A_370 = arith.constant 0 : index
    %get3A_371 = vector.load %arg2[%get3A_369, %get3A_370] : memref<512x128xf32, #tpu.memory_space<vmem>>, vector<32x128xf32>
    %ne3A_372 = arith.constant -1.000000e+00 : f32
    %ne3A_373 = vector.broadcast %ne3A_372 : f32 to vector<32x128xf32>
    %ne3A_374 = arith.cmpf one, %get3A_368, %ne3A_373 : vector<32x128xf32>
    %convert_element_type3A_375 = arith.extui %ne3A_374 : vector<32x128xi1> to vector<32x128xi32>
    %convert_element_type3A_376 = arith.sitofp %convert_element_type3A_375 : vector<32x128xi32> to vector<32x128xf32>
    %gt3A_377 = arith.constant 0.000000e+00 : f32
    %gt3A_378 = vector.broadcast %gt3A_377 : f32 to vector<32x128xf32>
    %gt3A_379 = arith.cmpf ogt, %get3A_368, %gt3A_378 : vector<32x128xf32>
    %jit3A_380 = arith.constant 1.000000e-07 : f32
    %jit3A_381 = arith.constant 0.99999988 : f32
    %max3A_382 = vector.broadcast %jit3A_380 : f32 to vector<32x128xf32>
    %max3A_383 = arith.maximumf %max3A_382, %get3A_371 : vector<32x128xf32>
    %min3A_384 = vector.broadcast %jit3A_381 : f32 to vector<32x128xf32>
    %min3A_385 = arith.minimumf %min3A_384, %max3A_383 : vector<32x128xf32>
    %sub3A_386 = arith.constant 1.000000e+00 : f32
    %sub3A_387 = vector.broadcast %sub3A_386 : f32 to vector<32x128xf32>
    %sub3A_388 = arith.subf %sub3A_387, %min3A_385 : vector<32x128xf32>
    %select_n3A_389 = arith.select %gt3A_379, %min3A_385, %sub3A_388 : vector<32x128xi1>, vector<32x128xf32>
    %log3A_390 = math.log %select_n3A_389 : vector<32x128xf32>
    %neg3A_391 = arith.constant 0.000000e+00 : f32
    %neg3A_392 = vector.broadcast %neg3A_391 : f32 to vector<32x128xf32>
    %neg3A_393 = arith.subf %neg3A_392, %log3A_390 : vector<32x128xf32>
    %mul3A_394 = arith.mulf %neg3A_393, %convert_element_type3A_376 : vector<32x128xf32>
    %add3A_395 = arith.addf %add3A_361, %mul3A_394 : vector<32x128xf32>
    %add3A_396 = arith.addf %add3A_362, %convert_element_type3A_376 : vector<32x128xf32>
    %convert_element_type3A_397 = arith.extui %gt3A_379 : vector<32x128xi1> to vector<32x128xi32>
    %convert_element_type3A_398 = arith.sitofp %convert_element_type3A_397 : vector<32x128xi32> to vector<32x128xf32>
    %add3A_399 = arith.addf %add3A_365, %convert_element_type3A_398 : vector<32x128xf32>
    %get3A_400 = arith.constant 384 : index
    %get3A_401 = arith.constant 0 : index
    %get3A_402 = vector.load %arg1[%get3A_400, %get3A_401] : memref<512x128xf32, #tpu.memory_space<vmem>>, vector<32x128xf32>
    %get3A_403 = arith.constant 384 : index
    %get3A_404 = arith.constant 0 : index
    %get3A_405 = vector.load %arg2[%get3A_403, %get3A_404] : memref<512x128xf32, #tpu.memory_space<vmem>>, vector<32x128xf32>
    %ne3A_406 = arith.constant -1.000000e+00 : f32
    %ne3A_407 = vector.broadcast %ne3A_406 : f32 to vector<32x128xf32>
    %ne3A_408 = arith.cmpf one, %get3A_402, %ne3A_407 : vector<32x128xf32>
    %convert_element_type3A_409 = arith.extui %ne3A_408 : vector<32x128xi1> to vector<32x128xi32>
    %convert_element_type3A_410 = arith.sitofp %convert_element_type3A_409 : vector<32x128xi32> to vector<32x128xf32>
    %gt3A_411 = arith.constant 0.000000e+00 : f32
    %gt3A_412 = vector.broadcast %gt3A_411 : f32 to vector<32x128xf32>
    %gt3A_413 = arith.cmpf ogt, %get3A_402, %gt3A_412 : vector<32x128xf32>
    %jit3A_414 = arith.constant 1.000000e-07 : f32
    %jit3A_415 = arith.constant 0.99999988 : f32
    %max3A_416 = vector.broadcast %jit3A_414 : f32 to vector<32x128xf32>
    %max3A_417 = arith.maximumf %max3A_416, %get3A_405 : vector<32x128xf32>
    %min3A_418 = vector.broadcast %jit3A_415 : f32 to vector<32x128xf32>
    %min3A_419 = arith.minimumf %min3A_418, %max3A_417 : vector<32x128xf32>
    %sub3A_420 = arith.constant 1.000000e+00 : f32
    %sub3A_421 = vector.broadcast %sub3A_420 : f32 to vector<32x128xf32>
    %sub3A_422 = arith.subf %sub3A_421, %min3A_419 : vector<32x128xf32>
    %select_n3A_423 = arith.select %gt3A_413, %min3A_419, %sub3A_422 : vector<32x128xi1>, vector<32x128xf32>
    %log3A_424 = math.log %select_n3A_423 : vector<32x128xf32>
    %neg3A_425 = arith.constant 0.000000e+00 : f32
    %neg3A_426 = vector.broadcast %neg3A_425 : f32 to vector<32x128xf32>
    %neg3A_427 = arith.subf %neg3A_426, %log3A_424 : vector<32x128xf32>
    %mul3A_428 = arith.mulf %neg3A_427, %convert_element_type3A_410 : vector<32x128xf32>
    %add3A_429 = arith.addf %add3A_395, %mul3A_428 : vector<32x128xf32>
    %add3A_430 = arith.addf %add3A_396, %convert_element_type3A_410 : vector<32x128xf32>
    %convert_element_type3A_431 = arith.extui %gt3A_413 : vector<32x128xi1> to vector<32x128xi32>
    %convert_element_type3A_432 = arith.sitofp %convert_element_type3A_431 : vector<32x128xi32> to vector<32x128xf32>
    %add3A_433 = arith.addf %add3A_399, %convert_element_type3A_432 : vector<32x128xf32>
    %get3A_434 = arith.constant 416 : index
    %get3A_435 = arith.constant 0 : index
    %get3A_436 = vector.load %arg1[%get3A_434, %get3A_435] : memref<512x128xf32, #tpu.memory_space<vmem>>, vector<32x128xf32>
    %get3A_437 = arith.constant 416 : index
    %get3A_438 = arith.constant 0 : index
    %get3A_439 = vector.load %arg2[%get3A_437, %get3A_438] : memref<512x128xf32, #tpu.memory_space<vmem>>, vector<32x128xf32>
    %ne3A_440 = arith.constant -1.000000e+00 : f32
    %ne3A_441 = vector.broadcast %ne3A_440 : f32 to vector<32x128xf32>
    %ne3A_442 = arith.cmpf one, %get3A_436, %ne3A_441 : vector<32x128xf32>
    %convert_element_type3A_443 = arith.extui %ne3A_442 : vector<32x128xi1> to vector<32x128xi32>
    %convert_element_type3A_444 = arith.sitofp %convert_element_type3A_443 : vector<32x128xi32> to vector<32x128xf32>
    %gt3A_445 = arith.constant 0.000000e+00 : f32
    %gt3A_446 = vector.broadcast %gt3A_445 : f32 to vector<32x128xf32>
    %gt3A_447 = arith.cmpf ogt, %get3A_436, %gt3A_446 : vector<32x128xf32>
    %jit3A_448 = arith.constant 1.000000e-07 : f32
    %jit3A_449 = arith.constant 0.99999988 : f32
    %max3A_450 = vector.broadcast %jit3A_448 : f32 to vector<32x128xf32>
    %max3A_451 = arith.maximumf %max3A_450, %get3A_439 : vector<32x128xf32>
    %min3A_452 = vector.broadcast %jit3A_449 : f32 to vector<32x128xf32>
    %min3A_453 = arith.minimumf %min3A_452, %max3A_451 : vector<32x128xf32>
    %sub3A_454 = arith.constant 1.000000e+00 : f32
    %sub3A_455 = vector.broadcast %sub3A_454 : f32 to vector<32x128xf32>
    %sub3A_456 = arith.subf %sub3A_455, %min3A_453 : vector<32x128xf32>
    %select_n3A_457 = arith.select %gt3A_447, %min3A_453, %sub3A_456 : vector<32x128xi1>, vector<32x128xf32>
    %log3A_458 = math.log %select_n3A_457 : vector<32x128xf32>
    %neg3A_459 = arith.constant 0.000000e+00 : f32
    %neg3A_460 = vector.broadcast %neg3A_459 : f32 to vector<32x128xf32>
    %neg3A_461 = arith.subf %neg3A_460, %log3A_458 : vector<32x128xf32>
    %mul3A_462 = arith.mulf %neg3A_461, %convert_element_type3A_444 : vector<32x128xf32>
    %add3A_463 = arith.addf %add3A_429, %mul3A_462 : vector<32x128xf32>
    %add3A_464 = arith.addf %add3A_430, %convert_element_type3A_444 : vector<32x128xf32>
    %convert_element_type3A_465 = arith.extui %gt3A_447 : vector<32x128xi1> to vector<32x128xi32>
    %convert_element_type3A_466 = arith.sitofp %convert_element_type3A_465 : vector<32x128xi32> to vector<32x128xf32>
    %add3A_467 = arith.addf %add3A_433, %convert_element_type3A_466 : vector<32x128xf32>
    %get3A_468 = arith.constant 448 : index
    %get3A_469 = arith.constant 0 : index
    %get3A_470 = vector.load %arg1[%get3A_468, %get3A_469] : memref<512x128xf32, #tpu.memory_space<vmem>>, vector<32x128xf32>
    %get3A_471 = arith.constant 448 : index
    %get3A_472 = arith.constant 0 : index
    %get3A_473 = vector.load %arg2[%get3A_471, %get3A_472] : memref<512x128xf32, #tpu.memory_space<vmem>>, vector<32x128xf32>
    %ne3A_474 = arith.constant -1.000000e+00 : f32
    %ne3A_475 = vector.broadcast %ne3A_474 : f32 to vector<32x128xf32>
    %ne3A_476 = arith.cmpf one, %get3A_470, %ne3A_475 : vector<32x128xf32>
    %convert_element_type3A_477 = arith.extui %ne3A_476 : vector<32x128xi1> to vector<32x128xi32>
    %convert_element_type3A_478 = arith.sitofp %convert_element_type3A_477 : vector<32x128xi32> to vector<32x128xf32>
    %gt3A_479 = arith.constant 0.000000e+00 : f32
    %gt3A_480 = vector.broadcast %gt3A_479 : f32 to vector<32x128xf32>
    %gt3A_481 = arith.cmpf ogt, %get3A_470, %gt3A_480 : vector<32x128xf32>
    %jit3A_482 = arith.constant 1.000000e-07 : f32
    %jit3A_483 = arith.constant 0.99999988 : f32
    %max3A_484 = vector.broadcast %jit3A_482 : f32 to vector<32x128xf32>
    %max3A_485 = arith.maximumf %max3A_484, %get3A_473 : vector<32x128xf32>
    %min3A_486 = vector.broadcast %jit3A_483 : f32 to vector<32x128xf32>
    %min3A_487 = arith.minimumf %min3A_486, %max3A_485 : vector<32x128xf32>
    %sub3A_488 = arith.constant 1.000000e+00 : f32
    %sub3A_489 = vector.broadcast %sub3A_488 : f32 to vector<32x128xf32>
    %sub3A_490 = arith.subf %sub3A_489, %min3A_487 : vector<32x128xf32>
    %select_n3A_491 = arith.select %gt3A_481, %min3A_487, %sub3A_490 : vector<32x128xi1>, vector<32x128xf32>
    %log3A_492 = math.log %select_n3A_491 : vector<32x128xf32>
    %neg3A_493 = arith.constant 0.000000e+00 : f32
    %neg3A_494 = vector.broadcast %neg3A_493 : f32 to vector<32x128xf32>
    %neg3A_495 = arith.subf %neg3A_494, %log3A_492 : vector<32x128xf32>
    %mul3A_496 = arith.mulf %neg3A_495, %convert_element_type3A_478 : vector<32x128xf32>
    %add3A_497 = arith.addf %add3A_463, %mul3A_496 : vector<32x128xf32>
    %add3A_498 = arith.addf %add3A_464, %convert_element_type3A_478 : vector<32x128xf32>
    %convert_element_type3A_499 = arith.extui %gt3A_481 : vector<32x128xi1> to vector<32x128xi32>
    %convert_element_type3A_500 = arith.sitofp %convert_element_type3A_499 : vector<32x128xi32> to vector<32x128xf32>
    %add3A_501 = arith.addf %add3A_467, %convert_element_type3A_500 : vector<32x128xf32>
    %get3A_502 = arith.constant 480 : index
    %get3A_503 = arith.constant 0 : index
    %get3A_504 = vector.load %arg1[%get3A_502, %get3A_503] : memref<512x128xf32, #tpu.memory_space<vmem>>, vector<32x128xf32>
    %get3A_505 = arith.constant 480 : index
    %get3A_506 = arith.constant 0 : index
    %get3A_507 = vector.load %arg2[%get3A_505, %get3A_506] : memref<512x128xf32, #tpu.memory_space<vmem>>, vector<32x128xf32>
    %ne3A_508 = arith.constant -1.000000e+00 : f32
    %ne3A_509 = vector.broadcast %ne3A_508 : f32 to vector<32x128xf32>
    %ne3A_510 = arith.cmpf one, %get3A_504, %ne3A_509 : vector<32x128xf32>
    %convert_element_type3A_511 = arith.extui %ne3A_510 : vector<32x128xi1> to vector<32x128xi32>
    %convert_element_type3A_512 = arith.sitofp %convert_element_type3A_511 : vector<32x128xi32> to vector<32x128xf32>
    %gt3A_513 = arith.constant 0.000000e+00 : f32
    %gt3A_514 = vector.broadcast %gt3A_513 : f32 to vector<32x128xf32>
    %gt3A_515 = arith.cmpf ogt, %get3A_504, %gt3A_514 : vector<32x128xf32>
    %jit3A_516 = arith.constant 1.000000e-07 : f32
    %jit3A_517 = arith.constant 0.99999988 : f32
    %max3A_518 = vector.broadcast %jit3A_516 : f32 to vector<32x128xf32>
    %max3A_519 = arith.maximumf %max3A_518, %get3A_507 : vector<32x128xf32>
    %min3A_520 = vector.broadcast %jit3A_517 : f32 to vector<32x128xf32>
    %min3A_521 = arith.minimumf %min3A_520, %max3A_519 : vector<32x128xf32>
    %sub3A_522 = arith.constant 1.000000e+00 : f32
    %sub3A_523 = vector.broadcast %sub3A_522 : f32 to vector<32x128xf32>
    %sub3A_524 = arith.subf %sub3A_523, %min3A_521 : vector<32x128xf32>
    %select_n3A_525 = arith.select %gt3A_515, %min3A_521, %sub3A_524 : vector<32x128xi1>, vector<32x128xf32>
    %log3A_526 = math.log %select_n3A_525 : vector<32x128xf32>
    %neg3A_527 = arith.constant 0.000000e+00 : f32
    %neg3A_528 = vector.broadcast %neg3A_527 : f32 to vector<32x128xf32>
    %neg3A_529 = arith.subf %neg3A_528, %log3A_526 : vector<32x128xf32>
    %mul3A_530 = arith.mulf %neg3A_529, %convert_element_type3A_512 : vector<32x128xf32>
    %add3A_531 = arith.addf %add3A_497, %mul3A_530 : vector<32x128xf32>
    %add3A_532 = arith.addf %add3A_498, %convert_element_type3A_512 : vector<32x128xf32>
    %convert_element_type3A_533 = arith.extui %gt3A_515 : vector<32x128xi1> to vector<32x128xi32>
    %convert_element_type3A_534 = arith.sitofp %convert_element_type3A_533 : vector<32x128xi32> to vector<32x128xf32>
    %add3A_535 = arith.addf %add3A_501, %convert_element_type3A_534 : vector<32x128xf32>
    %eq3A = arith.constant 0 : i32
    %eq3A_536 = arith.cmpi eq, %arg0, %eq3A : i32
    %convert_element_type3A_537 = arith.extui %eq3A_536 : i1 to i32
    %cond3A = arith.constant 0 : i32
    %cond3A_538 = arith.cmpi ne, %convert_element_type3A_537, %cond3A : i32
    scf.if %cond3A_538 {
      %swap3A = arith.constant 0 : index
      %swap3A_549 = arith.constant 0 : index
      %swap3A_550 = vector.load %arg4[%swap3A, %swap3A_549] : memref<32x128xf32, #tpu.memory_space<vmem>>, vector<32x128xf32>
      tpu.vector_store %arg4[%swap3A, %swap3A_549], %add3A_531 {strides = array<i32>} : memref<32x128xf32, #tpu.memory_space<vmem>>, vector<32x128xf32>,
      %swap3A_551 = arith.constant 0 : index
      %swap3A_552 = arith.constant 0 : index
      %swap3A_553 = vector.load %arg5[%swap3A_551, %swap3A_552] : memref<32x128xf32, #tpu.memory_space<vmem>>, vector<32x128xf32>
      tpu.vector_store %arg5[%swap3A_551, %swap3A_552], %add3A_532 {strides = array<i32>} : memref<32x128xf32, #tpu.memory_space<vmem>>, vector<32x128xf32>,
      %swap3A_554 = arith.constant 0 : index
      %swap3A_555 = arith.constant 0 : index
      %swap3A_556 = vector.load %arg6[%swap3A_554, %swap3A_555] : memref<32x128xf32, #tpu.memory_space<vmem>>, vector<32x128xf32>
      tpu.vector_store %arg6[%swap3A_554, %swap3A_555], %add3A_535 {strides = array<i32>} : memref<32x128xf32, #tpu.memory_space<vmem>>, vector<32x128xf32>,
    } else {
    }
    %gt3A_539 = arith.constant 0 : i32
    %gt3A_540 = arith.cmpi sgt, %arg0, %gt3A_539 : i32
    %convert_element_type3A_541 = arith.extui %gt3A_540 : i1 to i32
    %cond3A_542 = arith.constant 0 : i32
    %cond3A_543 = arith.cmpi ne, %convert_element_type3A_541, %cond3A_542 : i32
    scf.if %cond3A_543 {
      %get3A_549 = arith.constant 0 : index
      %get3A_550 = arith.constant 0 : index
      %get3A_551 = vector.load %arg4[%get3A_549, %get3A_550] : memref<32x128xf32, #tpu.memory_space<vmem>>, vector<32x128xf32>
      %add3A_552 = arith.addf %get3A_551, %add3A_531 : vector<32x128xf32>
      %swap3A = arith.constant 0 : index
      %swap3A_553 = arith.constant 0 : index
      %swap3A_554 = vector.load %arg4[%swap3A, %swap3A_553] : memref<32x128xf32, #tpu.memory_space<vmem>>, vector<32x128xf32>
      tpu.vector_store %arg4[%swap3A, %swap3A_553], %add3A_552 {strides = array<i32>} : memref<32x128xf32, #tpu.memory_space<vmem>>, vector<32x128xf32>,
      %get3A_555 = arith.constant 0 : index
      %get3A_556 = arith.constant 0 : index
      %get3A_557 = vector.load %arg5[%get3A_555, %get3A_556] : memref<32x128xf32, #tpu.memory_space<vmem>>, vector<32x128xf32>
      %add3A_558 = arith.addf %get3A_557, %add3A_532 : vector<32x128xf32>
      %swap3A_559 = arith.constant 0 : index
      %swap3A_560 = arith.constant 0 : index
      %swap3A_561 = vector.load %arg5[%swap3A_559, %swap3A_560] : memref<32x128xf32, #tpu.memory_space<vmem>>, vector<32x128xf32>
      tpu.vector_store %arg5[%swap3A_559, %swap3A_560], %add3A_558 {strides = array<i32>} : memref<32x128xf32, #tpu.memory_space<vmem>>, vector<32x128xf32>,
      %get3A_562 = arith.constant 0 : index
      %get3A_563 = arith.constant 0 : index
      %get3A_564 = vector.load %arg6[%get3A_562, %get3A_563] : memref<32x128xf32, #tpu.memory_space<vmem>>, vector<32x128xf32>
      %add3A_565 = arith.addf %get3A_564, %add3A_535 : vector<32x128xf32>
      %swap3A_566 = arith.constant 0 : index
      %swap3A_567 = arith.constant 0 : index
      %swap3A_568 = vector.load %arg6[%swap3A_566, %swap3A_567] : memref<32x128xf32, #tpu.memory_space<vmem>>, vector<32x128xf32>
      tpu.vector_store %arg6[%swap3A_566, %swap3A_567], %add3A_565 {strides = array<i32>} : memref<32x128xf32, #tpu.memory_space<vmem>>, vector<32x128xf32>,
    } else {
    }
    %eq3A_544 = arith.constant 3 : i32
    %eq3A_545 = arith.cmpi eq, %arg0, %eq3A_544 : i32
    %convert_element_type3A_546 = arith.extui %eq3A_545 : i1 to i32
    %cond3A_547 = arith.constant 0 : i32
    %cond3A_548 = arith.cmpi ne, %convert_element_type3A_546, %cond3A_547 : i32
    scf.if %cond3A_548 {
      %get3A_549 = arith.constant 0 : index
      %get3A_550 = arith.constant 0 : index
      %get3A_551 = vector.load %arg4[%get3A_549, %get3A_550] : memref<32x128xf32, #tpu.memory_space<vmem>>, vector<32x128xf32>
      %reduce_sum3A = vector.shape_cast %get3A_551 : vector<32x128xf32> to vector<1x32x128xf32>
      %reduce_sum3A_552 = arith.constant dense<0.000000e+00> : vector<1xf32>
      %reduce_sum3A_553 = vector.multi_reduction <add>, %reduce_sum3A, %reduce_sum3A_552 [1, 2] : vector<1x32x128xf32> to vector<1xf32>
      %reduce_sum3A_554 = vector.shape_cast %reduce_sum3A_553 : vector<1xf32> to vector<1x1x1xf32>
      %reduce_sum3A_555 = vector.extract %reduce_sum3A_554[0, 0, 0] : f32 from vector<1x1x1xf32>
      %get3A_556 = arith.constant 0 : index
      %get3A_557 = arith.constant 0 : index
      %get3A_558 = vector.load %arg5[%get3A_556, %get3A_557] : memref<32x128xf32, #tpu.memory_space<vmem>>, vector<32x128xf32>
      %reduce_sum3A_559 = vector.shape_cast %get3A_558 : vector<32x128xf32> to vector<1x32x128xf32>
      %reduce_sum3A_560 = arith.constant dense<0.000000e+00> : vector<1xf32>
      %reduce_sum3A_561 = vector.multi_reduction <add>, %reduce_sum3A_559, %reduce_sum3A_560 [1, 2] : vector<1x32x128xf32> to vector<1xf32>
      %reduce_sum3A_562 = vector.shape_cast %reduce_sum3A_561 : vector<1xf32> to vector<1x1x1xf32>
      %reduce_sum3A_563 = vector.extract %reduce_sum3A_562[0, 0, 0] : f32 from vector<1x1x1xf32>
      %max3A_564 = arith.constant 1.000000e+00 : f32
      %max3A_565 = arith.maximumf %reduce_sum3A_563, %max3A_564 : f32
      %div3A = arith.divf %reduce_sum3A_555, %max3A_565 : f32
      %swap3A = arith.constant 0 : index
      %swap3A_566 = arith.constant 0 : index
      %swap3A_567 = memref.load %arg3[%swap3A, %swap3A_566] : memref<1x2xf32, #tpu.memory_space<smem>>
      memref.store %div3A, %arg3[%swap3A, %swap3A_566] : memref<1x2xf32, #tpu.memory_space<smem>>
      %get3A_568 = arith.constant 0 : index
      %get3A_569 = arith.constant 0 : index
      %get3A_570 = vector.load %arg6[%get3A_568, %get3A_569] : memref<32x128xf32, #tpu.memory_space<vmem>>, vector<32x128xf32>
      %reduce_sum3A_571 = vector.shape_cast %get3A_570 : vector<32x128xf32> to vector<1x32x128xf32>
      %reduce_sum3A_572 = arith.constant dense<0.000000e+00> : vector<1xf32>
      %reduce_sum3A_573 = vector.multi_reduction <add>, %reduce_sum3A_571, %reduce_sum3A_572 [1, 2] : vector<1x32x128xf32> to vector<1xf32>
      %reduce_sum3A_574 = vector.shape_cast %reduce_sum3A_573 : vector<1xf32> to vector<1x1x1xf32>
      %reduce_sum3A_575 = vector.extract %reduce_sum3A_574[0, 0, 0] : f32 from vector<1x1x1xf32>
      %swap3A_576 = arith.constant 0 : index
      %swap3A_577 = arith.constant 1 : index
      %swap3A_578 = memref.load %arg3[%swap3A_576, %swap3A_577] : memref<1x2xf32, #tpu.memory_space<smem>>
      memref.store %reduce_sum3A_575, %arg3[%swap3A_576, %swap3A_577] : memref<1x2xf32, #tpu.memory_space<smem>>
    } else {
    }
    return
  }
  func.func @transform_0(%arg0: i32) -> (i32, i32) {
    %c0_i32 = arith.constant 0 : i32
    %c0_i32_0 = arith.constant 0 : i32
    return %arg0, %c0_i32 : i32, i32
  }
  func.func @transform_1(%arg0: i32) -> (i32, i32) {
    %c0_i32 = arith.constant 0 : i32
    %c0_i32_0 = arith.constant 0 : i32
    return %arg0, %c0_i32 : i32, i32
  }
  func.func @transform_2(%arg0: i32) -> (i32, i32) {
    %c0_i32 = arith.constant 0 : i32
    %c0_i32_0 = arith.constant 0 : i32
    %c0_i32_1 = arith.constant 0 : i32
    return %c0_i32, %c0_i32_0 : i32, i32
  }
}

</mosaic_0001>

<sc_bundles>
// kernel: kernel.4.cloned.1.call-start
scs
__scs_entry_jumppad:
0x0: {  	(pc) =	sbr.rel $0x88, $3  }
0x1: {  	(tag) =	ssettag $0x0;
	lr =	simm.s32 $0x1  }
0x2: {  	[smem:$0x3F9D] =	sst lr;
	_ =	strace $0xD0000000  }
0x3: {  	_ = 	snop  }
0x4: {  	_ = 	snop  }
0x5: {  	_ = 	snop  }
0x6: {  	_ = 	snop  }
0x7: {  	_ = 	snop  }
__scs_overlays_trampoline_lowered:
0x8: {  	[smem:$0x3FAC] =	sst s0  }
0x9: {  	[smem:$0x3FAD] =	sst s1  }
0xa: {  	[smem:$0x3FAE] =	sst s2  }
0xb: {  	[smem:$0x3FAF] =	sst s3  }
0xc: {  	[smem:$0x3FB0] =	sst s4  }
0xd: {  	[smem:$0x3FB1] =	sst s5  }
0xe: {  	[smem:$0x3FB2] =	sst s6  }
0xf: {  	[smem:$0x3FB3] =	sst s7  }
0x10: {  	[smem:$0x3FB4] =	sst s8  }
0x11: {  	[smem:$0x3FB5] =	sst s9;
	s0 =	simm.s32 @!p0 $0x0  }
0x12: {  	s1 =	sld [smem:$0x3F9B];
	s0 =	simm.s32 @p0 $0x1  }
0x13: {  	[smem:$0x3FB6] =	sst s0;
	s0 =	simm.s32 @!p1 $0x0  }
0x14: {  	s2 =	sld [smem:$0x3F9A];
	s0 =	simm.s32 @p1 $0x1  }
0x15: {  	[smem:$0x3FB7] =	sst s0;
	s0 =	simm.s32 @!p2 $0x0  }
0x16: {  	s3 =	sld [smem:$0x3FDB];
	s0 =	simm.s32 @p2 $0x1  }
0x17: {  	s4 =	simm.s32 $0x1BF5;
	[smem:$0x3FB9] =	sst s0  }
0x18: {  	s0 =	sld [smem:$0x3F9C];
	_ =	swait.ge [sflag:s4], $0x0  }
0x19: {  	s7 =	sld [smem:$0x3F9D]  }
0x1a: {  	s8 =	sadd.s32 $0xFFFFE003, lr  }
0x1b: {  	s9 =	sadd.s32 $0xFFFFFEF7, lr;
	s5 =	simm.s32 $0xFFFFFFFF;
	p2 =	slt.u32 s8, $0xFFFFF086  }
0x1c: {  	p1 =	slt.u32 s9, $0xF7A;
	s5 =	simm.s32 @!p2 $0x0  }
0x1d: {  	s5 =	simm.s32 @p1 $0x1;
	p0 =	seq.s32 s7, s2  }
0x1e: {  	s7 =	smul.u32 @!p0 $0xF7A, s2;
	p2 =	seq.s32 @!p0 s5, $0x0  }
0x1f: {  	s9 =	smul.u32 $0xF7A, s1;
	s8 =	simm.s32 @!p0 $0x1BF5;
	p2 =	por !p2, p0  }
0x20: {  	[sflag:s8] =	ssyncset.s32 @!p0 $0xFFFFF086;
	s6 =	sadd.s32 @!p0 s3, s7;
	s7 =	simm.s32 @!p0 $0x108  }
0x21: {  	s3 =	sadd.s32 s3, s9;
	s6 =	sadd.s32 @!p0 $0x88, s6;
	s7 =	simm.s32 @p2 $0x1082  }
0x22: {  	[simem:s7], [sflag:s8] =	dma.local @!p0 [hbm:s6], $0xF7A  }
0x23: {  	s9 =	sor.u32 $0xD0000000, s2;
	s6 =	simm.s32 $0x108;
	_ =	swait.ge @!p0 [sflag:s8], $0x0  }
0x24: {  	s3 =	sadd.s32 $0x88, s3;
	s6 =	simm.s32 @!p1 $0x1082;
	[sflag:s4] =	ssyncset.s32 $0xFFFFF086  }
0x25: {  	[simem:s6], [sflag:s4] =	dma.local [hbm:s3], $0xF7A  }
0x26: {  	[smem:$0x3F9D] =	sst s1;
	(tag) =	ssettag s2;
	_ =	strace s9  }
0x27: {  	s1 =	sld [smem:$0x3FAD]  }
0x28: {  	s2 =	sld [smem:$0x3FAE]  }
0x29: {  	s4 =	sld [smem:$0x3FB0]  }
0x2a: {  	p0 =	seq.s32 s5, $0x0;
	s5 =	sld [smem:$0x3FB1]  }
0x2b: {  	s6 =	sld [smem:$0x3FB2]  }
0x2c: {  	s7 =	sld [smem:$0x3FB3]  }
0x2d: {  	s3 =	simm.s32 $0x108;
	s8 =	sld [smem:$0x3FB4]  }
0x2e: {  	s3 =	simm.s32 @!p0 $0x1082;
	s9 =	sld [smem:$0x3FB5]  }
0x2f: {  	lr =	sadd.s32 s0, s3;
	s0 =	sld [smem:$0x3FAC]  }
0x30: {  	s3 =	sld [smem:$0x3FAF]  }
0x31: {  	[smem:$0x3FB8] =	sst s10  }
0x32: {  	s10 =	sld [smem:$0x3FB6];
	_ =	sdelay $0x3  }
0x33: {  	p0 =	seq.s32 s10, $0x1;
	s10 =	sld [smem:$0x3FB8];
	_ =	sdelay $0x3  }
0x34: {  	[smem:$0x3FB8] =	sst s10  }
0x35: {  	s10 =	sld [smem:$0x3FB7];
	_ =	sdelay $0x3  }
0x36: {  	p1 =	seq.s32 s10, $0x1;
	s10 =	sld [smem:$0x3FB8];
	_ =	sdelay $0x3  }
0x37: {  	[smem:$0x3FB8] =	sst s10  }
0x38: {  	s10 =	sld [smem:$0x3FB9]  }
0x39: {  	_ = 	snop;
	(pc) =	sbr.ind lr, $3  }
0x3a: {  	_ = 	snop  }
0x3b: {  	_ = 	snop  }
0x3c: {  	p2 =	seq.s32 s10, $0x1;
	s10 =	sld [smem:$0x3FB8]  }
0x3d: {  	_ =	shalt  }
0x3e: {  	_ =	shalt  }
0x3f: {  	_ =	shalt  }
0x40: {  	_ =	shalt  }
0x41: {  	_ =	shalt  }
0x42: {  	_ =	shalt  }
0x43: {  	_ =	shalt  }
0x44: {  	_ =	shalt  }
0x45: {  	_ =	shalt  }
0x46: {  	_ =	shalt  }
0x47: {  	_ =	shalt  }
0x48: {  	_ =	shalt  }
0x49: {  	_ =	shalt  }
0x4a: {  	_ =	shalt  }
0x4b: {  	_ =	shalt  }
0x4c: {  	_ =	shalt  }
0x4d: {  	_ =	shalt  }
0x4e: {  	_ =	shalt  }
0x4f: {  	_ =	shalt  }
0x50: {  	_ =	shalt  }
0x51: {  	_ =	shalt  }
0x52: {  	_ =	shalt  }
0x53: {  	_ =	shalt  }
0x54: {  	_ =	shalt  }
0x55: {  	_ =	shalt  }
0x56: {  	_ =	shalt  }
0x57: {  	_ =	shalt  }
0x58: {  	_ =	shalt  }
0x59: {  	_ =	shalt  }
0x5a: {  	_ =	shalt  }
0x5b: {  	_ =	shalt  }
0x5c: {  	_ =	shalt  }
0x5d: {  	_ =	shalt  }
0x5e: {  	_ =	shalt  }
0x5f: {  	_ =	shalt  }
0x60: {  	_ =	shalt  }
0x61: {  	_ =	shalt  }
0x62: {  	_ =	shalt  }
0x63: {  	_ =	shalt  }
0x64: {  	_ =	shalt  }
0x65: {  	_ =	shalt  }
0x66: {  	_ =	shalt  }
0x67: {  	_ =	shalt  }
0x68: {  	_ =	shalt  }
0x69: {  	_ =	shalt  }
0x6a: {  	_ =	shalt  }
0x6b: {  	_ =	shalt  }
0x6c: {  	_ =	shalt  }
0x6d: {  	_ =	shalt  }
0x6e: {  	_ =	shalt  }
0x6f: {  	_ =	shalt  }
0x70: {  	_ =	shalt  }
0x71: {  	_ =	shalt  }
0x72: {  	_ =	shalt  }
0x73: {  	_ =	shalt  }
0x74: {  	_ =	shalt  }
0x75: {  	_ =	shalt  }
0x76: {  	_ =	shalt  }
0x77: {  	_ =	shalt  }
0x78: {  	_ =	shalt  }
0x79: {  	_ =	shalt  }
0x7a: {  	_ =	shalt  }
0x7b: {  	_ =	shalt  }
0x7c: {  	_ =	shalt  }
0x7d: {  	_ =	shalt  }
0x7e: {  	_ =	shalt  }
0x7f: {  	_ =	shalt  }
0x80: {  	_ =	shalt  }
0x81: {  	_ =	shalt  }
0x82: {  	_ =	shalt  }
0x83: {  	_ =	shalt  }
0x84: {  	_ =	shalt  }
0x85: {  	_ =	shalt  }
0x86: {  	_ =	shalt  }
0x87: {  	_ =	shalt  }
.Lfunc_end0:
.L_simem_size_0:
called_computation_lowered:
.L_overlay_start_0:
0x88: {  	s2 =	sld [smem:$0x3FD9]  }
0x89: {  	s3 =	sld [smem:$0x3FFE];
	_ =	sdelay $0x1  }
0x8a: {  	s1 =	srdreg.scid  }
0x8b: {  	s0 =	sand.u32 $0x1, s1  }
0x8c: {  	s17 =	sshll.u32 s0, $0xA;
	s2 =	sadd.s32 s3, s2  }
0x8d: {  	s2 =	sadd.s32 s2, s17  }
0x8e: {  	[smem:$0x3FC4] =	sst s2  }
0x8f: {  	_ = 	snop  }
0x90: {  	s2 =	sld [smem:$0x3FC9]  }
0x91: {  	s18 =	sld [smem:$0x3FC8]  }
0x92: {  	s4 =	sld [smem:$0x3FC7];
	(tm) =	ssettm $0x1  }
0x93: {  	s5 =	sld [smem:$0x3FFB];
	_ =	sdelay $0x3  }
0x94: {  	_ =	strace s5  }
0x95: {  	s5 =	sld [smem:$0x3FFC];
	_ =	sdelay $0x3  }
0x96: {  	_ =	strace s5  }
0x97: {  	s5 =	sld [smem:$0x3FFD];
	_ =	sdelay $0x3  }
0x98: {  	_ =	strace s5  }
0x99: {  	_ =	strace $0x8FFFFFFF  }
0x9a: {  	s19 =	sld [smem:$0x3FDB];
	_ =	sdelay $0x1  }
0x9b: {  	s6 =	simm.s32 $_scs_section_size  }
0x9c: {  	s7 =	simm.s32 $_size__tile_overlayer_lowered;
	s8 =	simm.s32 $_tile_overlayer_lowered  }
0x9d: {  	s22 =	simm.s32 $0x1BFF;
	s21 =	sshll.u32 s8, $0x1;
	s5 =	sadd.s32 s6, s19  }
0x9e: {  	s9 =	simm.s32 $0x0;
	s20 =	sshll.u32 s7, $0x1;
	s7 =	sadd.s32 s21, s5  }
0x9f: {  	[timem:s9], [sflag:s22] =	dma.local [hbm:s7], s20  }
0xa0: {  	_ =	swait.ge [sflag:s22], s20  }
0xa1: {  	s6 =	ssub.s32 $0x0, s20;
	[sflag:s22] =	ssyncset.done $0x0  }
0xa2: {  	[sflag:s22] =	ssyncadd.s32 s6;
	_ =	sdelay $0x1  }
0xa3: {  	s23 =	simm.s32 $0x1B8B  }
0xa4: {  	_ =	swait.ge [sflag:s23], $0x1  }
0xa5: {  	[sflag:s23] =	ssyncset.done $0x0  }
0xa6: {  	s25 =	simm.s32 $0x1B8E;
	s24 =	sld [smem:$0x3FFE];
	[sflag:s23] =	ssyncadd.s32 $0xFFFFFFFF  }
0xa7: {  	s26 =	simm.s32 $execute0_lowered;
	[smem:$0x3FD2] =	sst s25  }
0xa8: {  	s7 =	sshll.u32 s26, $0x1;
	_ =	strace $0x80000046;
	[dreg:$0x1] =	wrdreg $0xFFFFFFFF  }
0xa9: {  	s28 =	simm.s32 $_size_execute0_lowered;
	s5 =	sadd.s32 s5, s7;
	[dreg:$0x0] =	wrdreg $0x0  }
0xaa: {  	s7 =	sshll.u32 s28, $0x1;
	[dreg:$0x2] =	wrdreg s5  }
0xab: {  	[dreg:$0x3] =	wrdreg s7  }
0xac: {  	[dreg:$0x4] =	wrdreg $0xC0  }
0xad: {  	_ =	task [dreg:s9], $0x5FFFF  }
0xae: {  	[dreg:$0x1] =	wrdreg $0xFFFFFFFF  }
0xaf: {  	[dreg:$0x0] =	wrdreg $0x60  }
0xb0: {  	[dreg:$0x2] =	wrdreg s18  }
0xb1: {  	[dreg:$0x3] =	wrdreg s2  }
0xb2: {  	[dreg:$0x4] =	wrdreg s4  }
0xb3: {  	[dreg:$0x5] =	wrdreg s24  }
0xb4: {  	[dreg:$0x6] =	wrdreg $0x9  }
0xb5: {  	_ =	task.clear_ibuf [dreg:s9], $0x7FFFF;
	_ =	strace $0x90000046  }
0xb6: {  	s29 =	simm.s32 $0x9;
	_ =	strace $0x80000048  }
0xb7: {  	_ =	swait.ge [sflag:s29], $0x1  }
0xb8: {  	[sflag:s29] =	ssyncadd.s32 $0xFFFFFFFF  }
0xb9: {  	_ =	strace $0x90000048  }
0xba: {  	_ =	sfence  }
0xbb: {  	s30 =	sld [smem:$0x0];
	_ =	sdelay $0x2  }
0xbc: {  	s31 =	sshll.u32 s1, $0xD;
	s1 =	sshrl.u32 s1, $0x2  }
0xbd: {  	s3 =	sand.u32 $0x4000, s31;
	s1 =	sadd.s32 s1, s30  }
0xbe: {  	s0 =	sor.u32 s3, s0;
	s1 =	sshll.u32 s1, $0x11  }
0xbf: {  	s0 =	sor.u32 s1, s0  }
0xc0: {  	s0 =	sadd.s32 $0x8F2B, s0  }
0xc1: {  	[sflag:s0] =	ssyncadd.remote.s32 $0x1  }
0xc2: {  	_ =	sfence.sel $0xFFFF  }
0xc3: {  	[dreg:$0x0] =	wrdreg $0xFFFFFFFF;
	(pc) =	sbr.abs _section_cstart, $3  }
0xc4: {  	[dreg:$0x1] =	wrdreg $0xFFFFFFFF  }
0xc5: {  	_ =	task.clear_ibuf [dreg:s9], $0x2FFFF;
	_ =	strace $0x9FFFFFFF  }
0xc6: {  	(tm) =	ssettm $0x7FFFFFFF  }
0xc7: {  	_ =	shalt  }
tec
execute0_lowered:
.L_overlay_start_1:
0x0: {  	(tag) =	ssettag $0x1  }
0x1: {  	s3 =	rddreg [dreg:$0x0]  }
0x2: {  	s4 =	rddreg [dreg:$0x1]  }
0x3: {  	s5 =	rddreg [dreg:$0x2]  }
0x4: {  	s6 =	rddreg [dreg:$0x3]  }
0x5: {  	s0 =	rddreg [dreg:$0x4];
	s7 =	srdreg.scid  }
0x6: {  	s1 =	stileid.u32;
	s2 =	simm.s32 $0x0;
	s11 =	simm.s32 $0x12000  }
0x7: {  	s12 =	simm.s32 $0x0;
	s7 =	sand.u32 $0x1, s7;
	s8 =	sshll.u32 s1, $0x1  }
0x8: {  	[smem:$0x7FF] =	sst s2;
	s8 =	sor.u32 s7, s8;
	s7 =	ssub.s32 $0x2, s7  }
0x9: {  	_ =	strace $0x80000047;
	s9 =	sshll.u32 s8, $0x4;
	s31 =	sshrl.u32 s7, $0x1  }
0xa: {  	s10 =	sshll.u32 s8, $0xA;
	s8 =	sshll.u32 s8, $0xC;
	s6 =	sadd.s32 s9, s6  }
0xb: {  	s7 =	ssub.s32 s7, s31;
	s3 =	sadd.s32 s3, s10;
	s4 =	sadd.s32 s4, s8  }
0xc: {  	v0 =	vimm.f32 $1.000000000e+00;
	s5 =	sadd.s32 s5, s8;
	s8 =	simm.s32 $0x1;
	s9 =	simm.s32 $0x2000  }
0xd: {  	v0 =	vand.u32 $0x7FFFFFFF, v0;
	s10 =	simm.s32 $0xA000;
	s6 =	sadd.s32 $0x600, s6;
	s7 =	smax.u32 s7, $0x1  }
.LBB2_1:
0xe: {  	[tilespmem:s2], [sflag:$0x1] =	stream.linear.gather [hbm4b:s3+s2], $0x2000, $0x38;
	[tilespmem:$0x12080] =	vst v63  }
0xf: {  	_ =	swait.ge [sflag:s8], $0x2000  }
0x10: {  	[sflag:s8] =	ssyncset.done $0x0  }
0x11: {  	[sflag:s8] =	ssyncadd.s32 $0xFFFFE000  }
0x12: {  	[tilespmem:s9], [sflag:$0x1] =	stream.linear.gather [hbm4b:s4+s2], $0x8000, $0x38;
	[tilespmem:$0x12080] =	vst v63  }
0x13: {  	_ =	swait.ge [sflag:s8], $0x8000  }
0x14: {  	[sflag:s8] =	ssyncset.done $0x0  }
0x15: {  	[sflag:s8] =	ssyncadd.s32 $0xFFFF8000  }
0x16: {  	[tilespmem:s10], [sflag:$0x1] =	stream.linear.gather [hbm4b:s5+s2], $0x8000, $0x38;
	[tilespmem:$0x12080] =	vst v63  }
0x17: {  	_ =	swait.ge [sflag:s8], $0x8000  }
0x18: {  	[sflag:s8] =	ssyncset.done $0x0  }
0x19: {  	s14 =	simm.s32 $0x0;
	[sflag:s8] =	ssyncadd.s32 $0xFFFF8000  }
0x1a: {  	v2 =	vld [tilespmem:s14+$0xA1F0]  }
0x1b: {  	v3 =	vld [tilespmem:s14+$0x21F0]  }
0x1c: {  	v1 =	vld [tilespmem:s14+$0xA070]  }
0x1d: {  	v4 =	vld [tilespmem:s14+$0x2070]  }
0x1e: {  	v5 =	vld [tilespmem:s14+$0xA0F0]  }
0x1f: {  	v6 =	vld [tilespmem:s14+$0x20F0]  }
0x20: {  	v7 =	vld [tilespmem:s14+$0xA170]  }
0x21: {  	v8 =	vld [tilespmem:s14+$0x2170]  }
0x22: {  	v9 =	vld [tilespmem:s14+$0xA000]  }
0x23: {  	s13 =	simm.s32 $0x40;
	v10 =	vld [tilespmem:s14+$0x2000]  }
0x24: {  	v18 =	vld [tilespmem:s13+$0x30]  }
0x25: {  	v22 =	vld [tilespmem:s14+$0xA050]  }
0x26: {  	v24 =	vld [tilespmem:s14+$0x2050]  }
0x27: {  	v11 =	vld [tilespmem:s14+$0xA080]  }
0x28: {  	v12 =	vld [tilespmem:s14+$0xA010];
	v4 =	vsub.f32 v1, v4;
	v5 =	vsub.f32 v5, v6  }
0x29: {  	v37 =	vld [tilespmem:s14+$0xA0E0];
	v1 =	vimm.f32 $0.0e+00;
	v7 =	vsub.f32 v7, v8;
	v2 =	vsub.f32 v2, v3  }
0x2a: {  	v6 =	vld [tilespmem:s14+$0x2080];
	v9 =	vsub.f32 v9, v10;
	vm0 =	vlt.f32 v18, $0.0e+00;
	vm1 =	vgt.f32 v18, $0.0e+00  }
0x2b: {  	v3 =	vld [tilespmem:s14+$0x2010];
	v22 =	vsub.f32 v22, v24;
	vm0 =	vmor vm1, vm0;
	v4 =	vand.u32 $0x7FFFFFFF, v4  }
0x2c: {  	v24 =	vld [tilespmem:s14+$0x20E0];
	v5 =	vand.u32 $0x7FFFFFFF, v5;
	v7 =	vand.u32 $0x7FFFFFFF, v7;
	v8 =	vmin.f32 v4, $1.000000000e+00  }
0x2d: {  	v14 =	vld [tilespmem:s14+$0xA090];
	v2 =	vand.u32 $0x7FFFFFFF, v2;
	v13 =	vmin.f32 v5, $1.000000000e+00;
	v15 =	vmul.f32 $5.000000000e-01, v8  }
0x2e: {  	v19 =	vld [tilespmem:s14+$0x2020];
	v9 =	vand.u32 $0x7FFFFFFF, v9;
	v22 =	vand.u32 $0x7FFFFFFF, v22;
	v16 =	vmul.f32 $5.000000000e-01, v13  }
0x2f: {  	v10 =	vld [tilespmem:s14+$0x2090];
	v17 =	vmin.f32 v7, $1.000000000e+00;
	v6 =	vsub.f32 v11, v6;
	v4 =	vsub.f32 v4, v15  }
0x30: {  	v11 =	vld [tilespmem:s14+$0xA020];
	v3 =	vsub.f32 v12, v3;
	v5 =	vsub.f32 v5, v16;
	v15 =	vmul.f32 $5.000000000e-01, v17  }
0x31: {  	v20 =	vld [tilespmem:s14+$0x20C0];
	v24 =	vsub.f32 v37, v24;
	v16 =	vmin.f32 v2, $1.000000000e+00;
	v4 =	vmul.f32 v4, v8  }
0x32: {  	v12 =	vld [tilespmem:s14+$0x20A0];
	v5 =	vmul.f32 v5, v13;
	v7 =	vsub.f32 v7, v15;
	v8 =	vmul.f32 $5.000000000e-01, v16  }
0x33: {  	v6 =	vand.u32 $0x7FFFFFFF, v6;
	v3 =	vand.u32 $0x7FFFFFFF, v3;
	v24 =	vand.u32 $0x7FFFFFFF, v24;
	v15 =	vld [tilespmem:s14+$0xA0A0]  }
0x34: {  	v4 =	vadd.f32 v5, v4;
	v5 =	vmul.f32 v7, v17;
	v2 =	vsub.f32 v2, v8;
	v8 =	vld [tilespmem:s14+$0xA030]  }
0x35: {  	v7 =	vsub.f32 v14, v10;
	v10 =	vand.u32 $0x80000000, v18;
	v14 =	vld [tilespmem:s14+$0x2030];
	v11 =	vsub.f32 v11, v19  }
0x36: {  	v29 =	vld [tilespmem:s14+$0x20D0];
	v10 =	vor.u32 v10, v0;
	v4 =	vadd.f32 v5, v4;
	v2 =	vmul.f32 v2, v16  }
0x37: {  	v13 =	vmin.f32 v9, $1.000000000e+00;
	v5 =	vld [tilespmem:s14+$0xA0B0];
	v10 =	vsel vm0, v10, v18;
	v11 =	vand.u32 $0x7FFFFFFF, v11  }
0x38: {  	v16 =	vld [tilespmem:s14+$0x20B0];
	v10 =	vmax.f32 v10, $0.0e+00;
	v19 =	vmin.f32 v11, $1.000000000e+00;
	v2 =	vadd.f32 v2, v4  }
0x39: {  	v34 =	vld [tilespmem:s14+$0x2060];
	v4 =	vand.u32 $0x7FFFFFFF, v7;
	v7 =	vsub.f32 v15, v12;
	v15 =	vmin.f32 v6, $1.000000000e+00  }
0x3a: {  	v17 =	vld [tilespmem:s14+$0x2040];
	v28 =	vmul.f32 $5.000000000e-01, v19;
	v8 =	vsub.f32 v8, v14;
	v18 =	vmin.f32 v4, $1.000000000e+00  }
0x3b: {  	v12 =	vld [tilespmem:s14+$0xA040];
	v23 =	vmul.f32 $5.000000000e-01, v15;
	v2 =	vmul.f32 v2, v10;
	v10 =	vmin.f32 v3, $1.000000000e+00  }
0x3c: {  	v39 =	vld [tilespmem:s14+$0x2110];
	v7 =	vand.u32 $0x7FFFFFFF, v7;
	v27 =	vmul.f32 $5.000000000e-01, v18;
	v11 =	vsub.f32 v11, v28  }
0x3d: {  	v52 =	vld [tilespmem:s14+$0x2120];
	v21 =	vmin.f32 v7, $1.000000000e+00;
	v8 =	vand.u32 $0x7FFFFFFF, v8;
	v5 =	vsub.f32 v5, v16  }
0x3e: {  	v14 =	vld [tilespmem:s14+$0xA0C0];
	v16 =	vmul.f32 $5.000000000e-01, v13;
	v26 =	vmul.f32 $5.000000000e-01, v10;
	v6 =	vsub.f32 v6, v23  }
0x3f: {  	v56 =	vld [tilespmem:s14+$0xA150];
	v25 =	vmin.f32 v8, $1.000000000e+00;
	v31 =	vmul.f32 $5.000000000e-01, v21;
	v4 =	vsub.f32 v4, v27  }
0x40: {  	v58 =	vld [tilespmem:s14+$0x2150];
	v11 =	vmul.f32 v11, v19;
	v12 =	vsub.f32 v12, v17;
	v5 =	vand.u32 $0x7FFFFFFF, v5  }
0x41: {  	v61 =	vld [tilespmem:s14+$0x2180];
	v32 =	vmul.f32 $5.000000000e-01, v25;
	v9 =	vsub.f32 v9, v16;
	v3 =	vsub.f32 v3, v26  }
0x42: {  	v46 =	vld [tilespmem:s14+$0x2190];
	v26 =	vmin.f32 v22, $1.000000000e+00;
	v6 =	vmul.f32 v6, v15;
	v30 =	vmin.f32 v5, $1.000000000e+00  }
0x43: {  	v27 =	vld [tilespmem:s14+$0xA110];
	v14 =	vsub.f32 v14, v20;
	v51 =	vmul.f32 $5.000000000e-01, v26;
	v7 =	vsub.f32 v7, v31  }
0x44: {  	v17 =	vld [tilespmem:s14+$0xA0D0];
	v4 =	vmul.f32 v4, v18;
	v12 =	vand.u32 $0x7FFFFFFF, v12;
	v35 =	vmul.f32 $5.000000000e-01, v30  }
0x45: {  	v15 =	vld [tilespmem:s14+$0xA180];
	v8 =	vsub.f32 v8, v32;
	v9 =	vmul.f32 v9, v13;
	v3 =	vmul.f32 v3, v10  }
0x46: {  	v20 =	vld [tilespmem:s14+$0xA060];
	v33 =	vmin.f32 v12, $1.000000000e+00;
	v14 =	vand.u32 $0x7FFFFFFF, v14;
	v22 =	vsub.f32 v22, v51  }
0x47: {  	v31 =	vld [tilespmem:s14+$0xA120];
	v7 =	vmul.f32 v7, v21;
	v36 =	vmul.f32 $5.000000000e-01, v33;
	v5 =	vsub.f32 v5, v35  }
0x48: {  	v18 =	vld [tilespmem:s14+$0xA190];
	v16 =	vmin.f32 v14, $1.000000000e+00;
	v27 =	vsub.f32 v27, v39;
	v6 =	vadd.f32 v6, v9  }
0x49: {  	v54 =	vld [tilespmem:s14+$0xA140];
	v8 =	vmul.f32 v8, v25;
	v3 =	vadd.f32 v4, v3;
	v17 =	vsub.f32 v17, v29  }
0x4a: {  	v43 =	vld [tilespmem:s14+$0x2140];
	v38 =	vmul.f32 $5.000000000e-01, v16;
	v15 =	vsub.f32 v15, v61;
	v7 =	vadd.f32 v7, v11  }
0x4b: {  	v22 =	vmul.f32 v22, v26;
	v20 =	vsub.f32 v20, v34;
	v12 =	vsub.f32 v12, v36  }
0x4c: {  	v63 =	vld [tilespmem:s14+$0x21A0];
	v36 =	vmin.f32 v24, $1.000000000e+00;
	v27 =	vand.u32 $0x7FFFFFFF, v27;
	v31 =	vsub.f32 v31, v52  }
0x4d: {  	v21 =	vld [tilespmem:s14+$0xA1A0];
	v34 =	vsub.f32 v56, v58;
	v5 =	vmul.f32 v5, v30;
	v18 =	vsub.f32 v18, v46  }
0x4e: {  	v17 =	vand.u32 $0x7FFFFFFF, v17;
	v14 =	vsub.f32 v14, v38;
	v55 =	vmul.f32 $5.000000000e-01, v36  }
0x4f: {  	v23 =	vld [tilespmem:s14+$0xA100];
	v37 =	vmin.f32 v27, $1.000000000e+00;
	v38 =	vsub.f32 v54, v43;
	v15 =	vand.u32 $0x7FFFFFFF, v15  }
0x50: {  	v29 =	vld [tilespmem:s14+$0x2100];
	v28 =	vmin.f32 v17, $1.000000000e+00;
	v20 =	vand.u32 $0x7FFFFFFF, v20;
	v59 =	vmul.f32 $5.000000000e-01, v37  }
0x51: {  	v48 =	vld [tilespmem:s14+$0x21B0];
	v31 =	vand.u32 $0x7FFFFFFF, v31;
	v34 =	vand.u32 $0x7FFFFFFF, v34;
	v12 =	vmul.f32 v12, v33  }
0x52: {  	v30 =	vld [tilespmem:s14+$0xA1B0];
	v49 =	vmin.f32 v15, $1.000000000e+00;
	v18 =	vand.u32 $0x7FFFFFFF, v18;
	v21 =	vsub.f32 v21, v63  }
0x53: {  	v56 =	vld [tilespmem:s14+$0xA1E0];
	v5 =	vadd.f32 v5, v8;
	v40 =	vmul.f32 $5.000000000e-01, v28;
	v32 =	vmin.f32 v20, $1.000000000e+00  }
0x54: {  	v58 =	vld [tilespmem:s14+$0x21E0];
	v24 =	vsub.f32 v24, v55;
	v13 =	vmin.f32 v31, $1.000000000e+00;
	v38 =	vand.u32 $0x7FFFFFFF, v38  }
0x55: {  	v25 =	vmin.f32 v34, $1.000000000e+00;
	v14 =	vmul.f32 v14, v16;
	v23 =	vsub.f32 v23, v29  }
0x56: {  	v41 =	vld [tilespmem:s14+$0x2130];
	v53 =	vmul.f32 $5.000000000e-01, v32;
	v45 =	vmul.f32 $5.000000000e-01, v13;
	v19 =	vmin.f32 v38, $1.000000000e+00  }
0x57: {  	v44 =	vld [tilespmem:s14+$0xA160];
	v52 =	vmul.f32 $5.000000000e-01, v25;
	v21 =	vand.u32 $0x7FFFFFFF, v21;
	v27 =	vsub.f32 v27, v59  }
0x58: {  	v26 =	vld [tilespmem:s14+$0xA1D0];
	v17 =	vsub.f32 v17, v40;
	v47 =	vmul.f32 $5.000000000e-01, v19;
	v30 =	vsub.f32 v30, v48  }
0x59: {  	v55 =	vld [tilespmem:s14+$0x21D0];
	v24 =	vmul.f32 v24, v36;
	v35 =	vsub.f32 v56, v58;
	v8 =	vadd.f32 v14, v12  }
0x5a: {  	v29 =	vld [tilespmem:s14+$0xA130];
	v23 =	vand.u32 $0x7FFFFFFF, v23;
	v20 =	vsub.f32 v20, v53;
	v31 =	vsub.f32 v31, v45  }
0x5b: {  	v60 =	vld [tilespmem:s14+$0x2160];
	v34 =	vsub.f32 v34, v52;
	v42 =	vmin.f32 v23, $1.000000000e+00;
	v17 =	vmul.f32 v17, v28  }
0x5c: {  	v28 =	vmin.f32 v18, $1.000000000e+00;
	v30 =	vand.u32 $0x7FFFFFFF, v30;
	v38 =	vsub.f32 v38, v47  }
0x5d: {  	v4 =	vand.u32 $0x7FFFFFFF, v35;
	v57 =	vmul.f32 $5.000000000e-01, v42;
	v20 =	vmul.f32 v20, v32  }
0x5e: {  	v50 =	vld [tilespmem:s14+$0x21C0];
	v59 =	vmin.f32 v30, $1.000000000e+00;
	v26 =	vsub.f32 v26, v55;
	v61 =	vmul.f32 $5.000000000e-01, v28  }
0x5f: {  	v53 =	vld [tilespmem:s14+$0xA1C0];
	v11 =	vmin.f32 v4, $1.000000000e+00;
	v13 =	vmul.f32 v31, v13;
	v29 =	vsub.f32 v29, v41  }
0x60: {  	v41 =	vsub.f32 v44, v60;
	v60 =	vmul.f32 $5.000000000e-01, v49;
	v48 =	vmul.f32 $5.000000000e-01, v59  }
0x61: {  	v12 =	vmul.f32 $5.000000000e-01, v11;
	v14 =	vadd.f32 v17, v22;
	v22 =	vmul.f32 v27, v37  }
0x62: {  	v19 =	vmul.f32 v38, v19;
	v23 =	vsub.f32 v23, v57;
	v57 =	vmin.f32 v21, $1.000000000e+00  }
0x63: {  	v26 =	vand.u32 $0x7FFFFFFF, v26;
	v20 =	vadd.f32 v24, v20;
	v18 =	vsub.f32 v18, v61  }
0x64: {  	v7 =	vadd.f32 v13, v7;
	v29 =	vand.u32 $0x7FFFFFFF, v29;
	v33 =	vsub.f32 v53, v50  }
0x65: {  	v41 =	vand.u32 $0x7FFFFFFF, v41;
	v15 =	vsub.f32 v15, v60;
	v24 =	vsub.f32 v30, v48  }
0x66: {  	v50 =	vmin.f32 v26, $1.000000000e+00;
	v4 =	vsub.f32 v4, v12;
	v3 =	vadd.f32 v22, v3  }
0x67: {  	v8 =	vadd.f32 v19, v8;
	v10 =	vmin.f32 v29, $1.000000000e+00;
	v51 =	vmul.f32 $5.000000000e-01, v50  }
0x68: {  	v13 =	vld [tilespmem:s13+$0xFFFFFFE0];
	v16 =	vmin.f32 v41, $1.000000000e+00;
	v17 =	vmul.f32 v23, v42;
	v23 =	vmul.f32 v34, v25  }
0x69: {  	v12 =	vld [tilespmem:s13+$0xFFFFFFD0];
	v62 =	vmul.f32 $5.000000000e-01, v10;
	v54 =	vmul.f32 $5.000000000e-01, v16;
	v33 =	vand.u32 $0x7FFFFFFF, v33  }
0x6a: {  	v19 =	vld [tilespmem:s13+$0x0];
	v15 =	vmul.f32 v15, v49;
	v4 =	vmul.f32 v4, v11;
	v26 =	vsub.f32 v26, v51  }
0x6b: {  	v63 =	vmin.f32 v33, $1.000000000e+00;
	v6 =	vadd.f32 v17, v6;
	v14 =	vadd.f32 v23, v14  }
0x6c: {  	v17 =	vmul.f32 v18, v28;
	v29 =	vsub.f32 v29, v62;
	v41 =	vsub.f32 v41, v54  }
0x6d: {  	v25 =	vld [tilespmem:s13+$0xFFFFFFC0];
	v62 =	vmul.f32 $5.000000000e-01, v57;
	v9 =	vmul.f32 $5.000000000e-01, v63;
	vm4 =	vlt.f32 v13, $0.0e+00  }
0x6e: {  	vm5 =	vgt.f32 v13, $0.0e+00;
	v22 =	vmul.f32 v26, v50;
	vm2 =	vlt.f32 v12, $0.0e+00  }
0x6f: {  	v11 =	vld [tilespmem:s13+$0x20];
	vm3 =	vgt.f32 v12, $0.0e+00;
	v26 =	vand.u32 $0x80000000, v13;
	v28 =	vand.u32 $0x80000000, v19  }
0x70: {  	vm8 =	vlt.f32 v19, $0.0e+00;
	vm9 =	vgt.f32 v19, $0.0e+00;
	v6 =	vadd.f32 v15, v6  }
0x71: {  	v3 =	vadd.f32 v17, v3;
	v10 =	vmul.f32 v29, v10;
	v21 =	vsub.f32 v21, v62  }
0x72: {  	v16 =	vmul.f32 v41, v16;
	v9 =	vsub.f32 v33, v9;
	vm0 =	vlt.f32 v25, $0.0e+00  }
0x73: {  	v23 =	vld [tilespmem:s13+$0x10];
	vm1 =	vgt.f32 v25, $0.0e+00;
	v26 =	vor.u32 v26, v0;
	v28 =	vor.u32 v28, v0  }
0x74: {  	vm9 =	vmor vm9, vm8;
	v30 =	vand.u32 $0x80000000, v11;
	vm12 =	vlt.f32 v11, $0.0e+00  }
0x75: {  	vm13 =	vgt.f32 v11, $0.0e+00;
	vm0 =	vmor vm1, vm0;
	vm1 =	vmor vm3, vm2  }
0x76: {  	vm2 =	vmor vm5, vm4;
	v18 =	vmul.f32 v21, v57;
	v5 =	vadd.f32 v10, v5  }
0x77: {  	v10 =	vmul.f32 v24, v59;
	v9 =	vmul.f32 v9, v63;
	v16 =	vadd.f32 v16, v20  }
0x78: {  	v20 =	vand.u32 $0x80000000, v25;
	v24 =	vand.u32 $0x80000000, v12;
	v29 =	vand.u32 $0x80000000, v23  }
0x79: {  	s31 =	simm.s32 $0x200;
	vm10 =	vlt.f32 v23, $0.0e+00;
	vm11 =	vgt.f32 v23, $0.0e+00;
	v30 =	vor.u32 v30, v0  }
0x7a: {  	v51 =	vld [tilespmem:s31+$0x2100];
	vm15 =	vmor vm13, vm12;
	v13 =	vsel vm2, v26, v13;
	v20 =	vor.u32 v20, v0  }
0x7b: {  	v17 =	vld [tilespmem:s31+$0xA1F0];
	v24 =	vor.u32 v24, v0;
	v29 =	vor.u32 v29, v0;
	vm14 =	vmor vm11, vm10  }
0x7c: {  	v62 =	vld [tilespmem:s31+$0xA100];
	v11 =	vsel vm15, v30, v11;
	v13 =	vmax.f32 v13, $0.0e+00;
	v7 =	vadd.f32 v18, v7  }
0x7d: {  	v21 =	vld [tilespmem:s13+$0xFFFFFFF0];
	v15 =	vsel vm0, v20, v25;
	v5 =	vadd.f32 v10, v5;
	v8 =	vadd.f32 v9, v8  }
0x7e: {  	v10 =	vsel vm1, v24, v12;
	v12 =	vld [tilespmem:s31+$0x21F0];
	v9 =	vadd.f32 v22, v14;
	v16 =	vadd.f32 v4, v16  }
0x7f: {  	v18 =	vld [tilespmem:s31+$0xA070];
	v4 =	vsel vm9, v28, v19;
	v19 =	vsel vm14, v29, v23;
	v15 =	vmax.f32 v15, $0.0e+00  }
0x80: {  	v20 =	vld [tilespmem:s31+$0x2070];
	v10 =	vmax.f32 v10, $0.0e+00;
	v4 =	vmax.f32 v4, $0.0e+00;
	v6 =	vmul.f32 v6, v15  }
0x81: {  	v22 =	vld [tilespmem:s31+$0x20F0];
	v37 =	vsub.f32 v62, v51;
	v3 =	vmul.f32 v3, v10;
	v13 =	vmul.f32 v7, v13  }
0x82: {  	v10 =	vld [tilespmem:s31+$0xA170];
	v15 =	vmul.f32 v8, v4;
	v4 =	vmax.f32 v19, $0.0e+00;
	v27 =	vand.u32 $0x80000000, v21  }
0x83: {  	v19 =	vld [tilespmem:s31+$0xA000];
	vm6 =	vlt.f32 v21, $0.0e+00;
	vm7 =	vgt.f32 v21, $0.0e+00;
	v27 =	vor.u32 v27, v0  }
0x84: {  	vm3 =	vmor vm7, vm6;
	v7 =	vadd.f32 v3, v1;
	v8 =	vadd.f32 v13, v1;
	v13 =	vld [tilespmem:s31+$0x2000]  }
0x85: {  	v3 =	vmul.f32 v9, v4;
	v9 =	vmax.f32 v11, $0.0e+00;
	v11 =	vld [tilespmem:s31+$0xA080];
	v14 =	vsel vm3, v27, v21  }
0x86: {  	v21 =	vld [tilespmem:s31+$0xA0F0];
	v14 =	vmax.f32 v14, $0.0e+00  }
0x87: {  	v37 =	vand.u32 $0x7FFFFFFF, v37;
	v9 =	vmul.f32 v16, v9;
	v16 =	vld [tilespmem:s31+$0x2080];
	v5 =	vmul.f32 v5, v14  }
0x88: {  	v2 =	vadd.f32 v2, v1;
	s13 =	simm.s32 $0xC0;
	v49 =	vmin.f32 v37, $1.000000000e+00;
	v12 =	vsub.f32 v17, v12;
	v14 =	vld [tilespmem:s31+$0x2170]  }
0x89: {  	v6 =	vadd.f32 v6, v1;
	v27 =	vld [tilespmem:s13+$0x30];
	v44 =	vmul.f32 $5.000000000e-01, v49;
	v4 =	vadd.f32 v5, v1  }
0x8a: {  	v12 =	vand.u32 $0x7FFFFFFF, v12;
	v5 =	vadd.f32 v15, v1;
	v15 =	vsub.f32 v18, v20  }
0x8b: {  	v3 =	vadd.f32 v3, v1;
	v26 =	vmin.f32 v12, $1.000000000e+00;
	v18 =	vsub.f32 v21, v22  }
0x8c: {  	v13 =	vsub.f32 v19, v13;
	v11 =	vsub.f32 v11, v16;
	v15 =	vand.u32 $0x7FFFFFFF, v15  }
0x8d: {  	v17 =	vld [tilespmem:s31+$0xA010];
	v18 =	vand.u32 $0x7FFFFFFF, v18;
	v10 =	vsub.f32 v10, v14;
	v20 =	vmin.f32 v15, $1.000000000e+00  }
0x8e: {  	vm7 =	vlt.f32 v27, $0.0e+00;
	v14 =	vld [tilespmem:s31+$0x2010];
	v21 =	vmin.f32 v18, $1.000000000e+00;
	v23 =	vmul.f32 $5.000000000e-01, v20  }
0x8f: {  	v28 =	vld [tilespmem:s31+$0x2020];
	vm8 =	vgt.f32 v27, $0.0e+00;
	v24 =	vmul.f32 $5.000000000e-01, v21;
	v10 =	vand.u32 $0x7FFFFFFF, v10  }
0x90: {  	v19 =	vld [tilespmem:s31+$0x2090];
	v13 =	vand.u32 $0x7FFFFFFF, v13;
	v25 =	vmin.f32 v10, $1.000000000e+00;
	v15 =	vsub.f32 v15, v23  }
0x91: {  	v22 =	vld [tilespmem:s31+$0xA090];
	vm0 =	vmor vm8, vm7;
	v18 =	vsub.f32 v18, v24;
	v23 =	vmul.f32 $5.000000000e-01, v25  }
0x92: {  	v16 =	vld [tilespmem:s31+$0xA020];
	v24 =	vmul.f32 $5.000000000e-01, v26;
	v15 =	vmul.f32 v15, v20;
	v20 =	vmin.f32 v13, $1.000000000e+00  }
0x93: {  	v14 =	vsub.f32 v17, v14;
	v17 =	vld [tilespmem:s31+$0xA0A0];
	v18 =	vmul.f32 v18, v21;
	v10 =	vsub.f32 v10, v23  }
0x94: {  	v11 =	vand.u32 $0x7FFFFFFF, v11;
	v21 =	vld [tilespmem:s31+$0x20A0];
	v12 =	vsub.f32 v12, v24;
	v29 =	vmul.f32 $5.000000000e-01, v20  }
0x95: {  	v23 =	vld [tilespmem:s31+$0x2030];
	v14 =	vand.u32 $0x7FFFFFFF, v14;
	v15 =	vadd.f32 v18, v15;
	v10 =	vmul.f32 v10, v25  }
0x96: {  	v18 =	vsub.f32 v22, v19;
	v19 =	vld [tilespmem:s31+$0xA030];
	v22 =	vand.u32 $0x80000000, v27;
	v13 =	vsub.f32 v13, v29  }
0x97: {  	v12 =	vmul.f32 v12, v26;
	v22 =	vor.u32 v22, v0;
	v10 =	vadd.f32 v10, v15  }
0x98: {  	v24 =	vld [tilespmem:s31+$0x20B0];
	v15 =	vsub.f32 v16, v28;
	v22 =	vsel vm0, v22, v27;
	v13 =	vmul.f32 v13, v20  }
0x99: {  	v16 =	vld [tilespmem:s31+$0xA0B0];
	v17 =	vsub.f32 v17, v21;
	v21 =	vmax.f32 v22, $0.0e+00;
	v22 =	vmin.f32 v11, $1.000000000e+00  }
0x9a: {  	v10 =	vadd.f32 v12, v10;
	v12 =	vand.u32 $0x7FFFFFFF, v18;
	v15 =	vand.u32 $0x7FFFFFFF, v15  }
0x9b: {  	v25 =	vld [tilespmem:s31+$0x2040];
	v30 =	vmul.f32 $5.000000000e-01, v22;
	v17 =	vand.u32 $0x7FFFFFFF, v17;
	v19 =	vsub.f32 v19, v23  }
0x9c: {  	v18 =	vld [tilespmem:s31+$0xA040];
	v26 =	vmin.f32 v12, $1.000000000e+00;
	v27 =	vmin.f32 v15, $1.000000000e+00;
	v10 =	vmul.f32 v10, v21  }
0x9d: {  	v28 =	vld [tilespmem:s31+$0x20C0];
	v21 =	vmin.f32 v14, $1.000000000e+00;
	v54 =	vmul.f32 $5.000000000e-01, v26;
	v55 =	vmul.f32 $5.000000000e-01, v27  }
0x9e: {  	v23 =	vld [tilespmem:s31+$0xA0C0];
	v11 =	vsub.f32 v11, v30;
	v19 =	vand.u32 $0x7FFFFFFF, v19;
	v16 =	vsub.f32 v16, v24  }
0x9f: {  	v61 =	vld [tilespmem:s31+$0xA0E0];
	v53 =	vmul.f32 $5.000000000e-01, v21;
	v2 =	vadd.f32 v10, v2;
	v10 =	vmin.f32 v17, $1.000000000e+00  }
0xa0: {  	v30 =	vld [tilespmem:s31+$0x20E0];
	v31 =	vmin.f32 v19, $1.000000000e+00;
	v12 =	vsub.f32 v12, v54;
	v15 =	vsub.f32 v15, v55  }
0xa1: {  	v52 =	vld [tilespmem:s31+$0x2050];
	v11 =	vmul.f32 v11, v22;
	v16 =	vand.u32 $0x7FFFFFFF, v16;
	v18 =	vsub.f32 v18, v25  }
0xa2: {  	v24 =	vld [tilespmem:s31+$0xA050];
	v57 =	vmul.f32 $5.000000000e-01, v10;
	v58 =	vmul.f32 $5.000000000e-01, v31;
	v14 =	vsub.f32 v14, v53  }
0xa3: {  	v56 =	vld [tilespmem:s31+$0x20D0];
	v36 =	vmin.f32 v16, $1.000000000e+00;
	v23 =	vsub.f32 v23, v28;
	v12 =	vmul.f32 v12, v26  }
0xa4: {  	v60 =	vld [tilespmem:s31+$0x2060];
	v15 =	vmul.f32 v15, v27;
	v11 =	vadd.f32 v11, v13;
	v18 =	vand.u32 $0x7FFFFFFF, v18  }
0xa5: {  	v25 =	vld [tilespmem:s31+$0xA0D0];
	v59 =	vmul.f32 $5.000000000e-01, v36;
	v17 =	vsub.f32 v17, v57;
	v30 =	vsub.f32 v61, v30  }
0xa6: {  	v28 =	vld [tilespmem:s31+$0xA060];
	v19 =	vsub.f32 v19, v58;
	v14 =	vmul.f32 v14, v21;
	v41 =	vmin.f32 v18, $1.000000000e+00  }
0xa7: {  	v54 =	vld [tilespmem:s31+$0x2110];
	v23 =	vand.u32 $0x7FFFFFFF, v23;
	v24 =	vsub.f32 v24, v52;
	v43 =	vmul.f32 $5.000000000e-01, v41  }
0xa8: {  	v55 =	vld [tilespmem:s31+$0xA120];
	v29 =	vmin.f32 v23, $1.000000000e+00;
	v16 =	vsub.f32 v16, v59;
	v30 =	vand.u32 $0x7FFFFFFF, v30  }
0xa9: {  	v57 =	vld [tilespmem:s31+$0x2120];
	v10 =	vmul.f32 v17, v10;
	v19 =	vmul.f32 v19, v31;
	v12 =	vadd.f32 v12, v14  }
0xaa: {  	v52 =	vld [tilespmem:s31+$0xA110];
	v63 =	vmul.f32 $5.000000000e-01, v29;
	v24 =	vand.u32 $0x7FFFFFFF, v24;
	v25 =	vsub.f32 v25, v56  }
0xab: {  	v51 =	vld [tilespmem:s31+$0xA180];
	v33 =	vmin.f32 v24, $1.000000000e+00;
	v28 =	vsub.f32 v28, v60;
	v18 =	vsub.f32 v18, v43  }
0xac: {  	v22 =	vld [tilespmem:s31+$0x2160];
	v43 =	vmin.f32 v30, $1.000000000e+00;
	v16 =	vmul.f32 v16, v36;
	v10 =	vadd.f32 v10, v15  }
0xad: {  	v26 =	vld [tilespmem:s31+$0xA190];
	v53 =	vmul.f32 $5.000000000e-01, v33;
	v25 =	vand.u32 $0x7FFFFFFF, v25;
	v23 =	vsub.f32 v23, v63  }
0xae: {  	v58 =	vld [tilespmem:s31+$0xA130];
	v62 =	vmul.f32 $5.000000000e-01, v43;
	v32 =	vsub.f32 v55, v57;
	v35 =	vmin.f32 v25, $1.000000000e+00  }
0xaf: {  	v60 =	vld [tilespmem:s31+$0x2130];
	v28 =	vand.u32 $0x7FFFFFFF, v28;
	v34 =	vsub.f32 v52, v54;
	v18 =	vmul.f32 v18, v41  }
0xb0: {  	v61 =	vld [tilespmem:s31+$0xA140];
	v15 =	vadd.f32 v16, v19;
	v56 =	vmul.f32 $5.000000000e-01, v35;
	v39 =	vmin.f32 v28, $1.000000000e+00  }
0xb1: {  	v63 =	vld [tilespmem:s31+$0x2140];
	v24 =	vsub.f32 v24, v53;
	v30 =	vsub.f32 v30, v62;
	v32 =	vand.u32 $0x7FFFFFFF, v32  }
0xb2: {  	v27 =	vld [tilespmem:s31+$0xA1A0];
	v23 =	vmul.f32 v23, v29;
	v59 =	vmul.f32 $5.000000000e-01, v39;
	v34 =	vand.u32 $0x7FFFFFFF, v34  }
0xb3: {  	v57 =	vld [tilespmem:s31+$0x2150];
	v20 =	vmin.f32 v32, $1.000000000e+00;
	v25 =	vsub.f32 v25, v56;
	v46 =	vmin.f32 v34, $1.000000000e+00  }
0xb4: {  	v56 =	vld [tilespmem:s31+$0xA150];
	v40 =	vsub.f32 v58, v60;
	v52 =	vmul.f32 $5.000000000e-01, v20;
	v24 =	vmul.f32 v24, v33  }
0xb5: {  	v58 =	vld [tilespmem:s31+$0xA160];
	v30 =	vmul.f32 v30, v43;
	v18 =	vadd.f32 v23, v18;
	v28 =	vsub.f32 v28, v59  }
0xb6: {  	v60 =	vld [tilespmem:s31+$0x2190];
	v45 =	vmul.f32 $5.000000000e-01, v46;
	v42 =	vsub.f32 v61, v63;
	v40 =	vand.u32 $0x7FFFFFFF, v40  }
0xb7: {  	v59 =	vld [tilespmem:s31+$0x2180];
	v25 =	vmul.f32 v25, v35;
	v35 =	vsub.f32 v37, v44;
	v32 =	vsub.f32 v32, v52  }
0xb8: {  	v61 =	vld [tilespmem:s31+$0x21A0];
	v21 =	vmin.f32 v40, $1.000000000e+00;
	v42 =	vand.u32 $0x7FFFFFFF, v42;
	v28 =	vmul.f32 v28, v39  }
0xb9: {  	v34 =	vsub.f32 v34, v45;
	v53 =	vmul.f32 $5.000000000e-01, v21;
	v17 =	vmin.f32 v42, $1.000000000e+00  }
0xba: {  	v19 =	vadd.f32 v25, v24;
	v24 =	vmul.f32 v35, v49;
	v38 =	vsub.f32 v56, v57  }
0xbb: {  	v20 =	vmul.f32 v32, v20;
	v22 =	vsub.f32 v58, v22;
	v26 =	vsub.f32 v26, v60  }
0xbc: {  	v55 =	vld [tilespmem:s31+$0x21B0];
	v54 =	vmul.f32 $5.000000000e-01, v17;
	v28 =	vadd.f32 v30, v28;
	v62 =	vsub.f32 v51, v59  }
0xbd: {  	v63 =	vld [tilespmem:s31+$0xA1B0];
	v25 =	vmul.f32 v34, v46;
	v27 =	vsub.f32 v27, v61;
	v40 =	vsub.f32 v40, v53  }
0xbe: {  	v11 =	vadd.f32 v24, v11;
	v10 =	vadd.f32 v20, v10;
	v38 =	vand.u32 $0x7FFFFFFF, v38  }
0xbf: {  	v41 =	vld [tilespmem:s31+$0xA1C0];
	v22 =	vand.u32 $0x7FFFFFFF, v22;
	v26 =	vand.u32 $0x7FFFFFFF, v26;
	v42 =	vsub.f32 v42, v54  }
0xc0: {  	v57 =	vld [tilespmem:s31+$0x21C0];
	v12 =	vadd.f32 v25, v12;
	v31 =	vmin.f32 v38, $1.000000000e+00;
	v29 =	vmin.f32 v22, $1.000000000e+00  }
0xc1: {  	v60 =	vld [tilespmem:s31+$0xA1D0];
	v36 =	vand.u32 $0x7FFFFFFF, v62;
	v37 =	vmin.f32 v26, $1.000000000e+00;
	v27 =	vand.u32 $0x7FFFFFFF, v27  }
0xc2: {  	v61 =	vld [tilespmem:s31+$0x21D0];
	v62 =	vsub.f32 v63, v55;
	v21 =	vmul.f32 v40, v21;
	v51 =	vmul.f32 $5.000000000e-01, v31  }
0xc3: {  	v44 =	vld [tilespmem:s31+$0xA1E0];
	v47 =	vmul.f32 $5.000000000e-01, v29;
	v56 =	vmin.f32 v36, $1.000000000e+00;
	v45 =	vmin.f32 v27, $1.000000000e+00  }
0xc4: {  	v25 =	vld [tilespmem:s13+$0xFFFFFFF0];
	v59 =	vmul.f32 $5.000000000e-01, v37;
	v17 =	vmul.f32 v42, v17;
	v43 =	vand.u32 $0x7FFFFFFF, v62  }
0xc5: {  	v63 =	vld [tilespmem:s31+$0x21E0];
	v41 =	vsub.f32 v41, v57;
	v58 =	vmul.f32 $5.000000000e-01, v56;
	v15 =	vadd.f32 v21, v15  }
0xc6: {  	v57 =	vmin.f32 v43, $1.000000000e+00;
	v38 =	vsub.f32 v38, v51;
	v22 =	vsub.f32 v22, v47  }
0xc7: {  	v55 =	vld [tilespmem:s13+$0xFFFFFFD0];
	v33 =	vsub.f32 v60, v61;
	v60 =	vmul.f32 $5.000000000e-01, v45;
	v26 =	vsub.f32 v26, v59  }
0xc8: {  	v41 =	vand.u32 $0x7FFFFFFF, v41;
	v62 =	vmul.f32 $5.000000000e-01, v57;
	v30 =	vsub.f32 v36, v58  }
0xc9: {  	vm6 =	vlt.f32 v25, $0.0e+00;
	vm7 =	vgt.f32 v25, $0.0e+00;
	v61 =	vmin.f32 v41, $1.000000000e+00  }
0xca: {  	v33 =	vand.u32 $0x7FFFFFFF, v33;
	v44 =	vsub.f32 v44, v63;
	v31 =	vmul.f32 v38, v31  }
0xcb: {  	v27 =	vsub.f32 v27, v60;
	v22 =	vmul.f32 v22, v29;
	v24 =	vmul.f32 v26, v37  }
0xcc: {  	vm2 =	vlt.f32 v55, $0.0e+00;
	vm3 =	vgt.f32 v55, $0.0e+00;
	v13 =	vmul.f32 $5.000000000e-01, v61  }
0xcd: {  	v29 =	vld [tilespmem:s13+$0xFFFFFFC0];
	v63 =	vmin.f32 v33, $1.000000000e+00;
	v54 =	vsub.f32 v43, v62;
	v30 =	vmul.f32 v30, v56  }
0xce: {  	v26 =	vld [tilespmem:s13+$0xFFFFFFE0];
	v14 =	vmul.f32 $5.000000000e-01, v63;
	v20 =	vmul.f32 v27, v45;
	v27 =	vadd.f32 v17, v18  }
0xcf: {  	v44 =	vand.u32 $0x7FFFFFFF, v44;
	v31 =	vadd.f32 v31, v19;
	v22 =	vadd.f32 v22, v28  }
0xd0: {  	v56 =	vld [tilespmem:s13+$0x0];
	v19 =	vand.u32 $0x80000000, v25;
	v16 =	vmin.f32 v44, $1.000000000e+00;
	v13 =	vsub.f32 v41, v13  }
0xd1: {  	v21 =	vmul.f32 v54, v57;
	v23 =	vmul.f32 $5.000000000e-01, v16;
	v14 =	vsub.f32 v33, v14  }
0xd2: {  	v20 =	vadd.f32 v20, v10;
	v13 =	vmul.f32 v13, v61;
	v17 =	vand.u32 $0x80000000, v29  }
0xd3: {  	vm0 =	vlt.f32 v29, $0.0e+00;
	vm1 =	vgt.f32 v29, $0.0e+00;
	v18 =	vand.u32 $0x80000000, v26  }
0xd4: {  	v28 =	vld [tilespmem:s13+$0x10];
	vm4 =	vlt.f32 v26, $0.0e+00;
	vm5 =	vgt.f32 v26, $0.0e+00;
	v23 =	vsub.f32 v44, v23  }
0xd5: {  	v14 =	vmul.f32 v14, v63;
	v58 =	vand.u32 $0x80000000, v56;
	vm8 =	vlt.f32 v56, $0.0e+00  }
0xd6: {  	vm9 =	vgt.f32 v56, $0.0e+00;
	v61 =	vor.u32 v17, v0;
	vm0 =	vmor vm1, vm0  }
0xd7: {  	vm1 =	vmor vm3, vm2;
	v62 =	vor.u32 v18, v0;
	vm2 =	vmor vm5, vm4  }
0xd8: {  	v57 =	vld [tilespmem:s13+$0x20];
	v63 =	vor.u32 v19, v0;
	vm3 =	vmor vm7, vm6;
	v18 =	vadd.f32 v30, v11  }
0xd9: {  	v17 =	vadd.f32 v24, v12;
	v19 =	vadd.f32 v21, v15;
	v59 =	vand.u32 $0x80000000, v28  }
0xda: {  	vm10 =	vlt.f32 v28, $0.0e+00;
	vm11 =	vgt.f32 v28, $0.0e+00;
	v35 =	vor.u32 v58, v0  }
0xdb: {  	vm9 =	vmor vm9, vm8;
	v24 =	vsel vm0, v61, v29;
	v10 =	vadd.f32 v13, v27  }
0xdc: {  	v27 =	vsel vm2, v62, v26;
	v29 =	vsel vm3, v63, v25;
	v23 =	vmul.f32 v23, v16  }
0xdd: {  	v16 =	vand.u32 $0x80000000, v55;
	v60 =	vand.u32 $0x80000000, v57;
	vm12 =	vlt.f32 v57, $0.0e+00  }
0xde: {  	s14 =	simm.s32 $0x400;
	vm13 =	vgt.f32 v57, $0.0e+00;
	v36 =	vor.u32 v59, v0;
	vm14 =	vmor vm11, vm10  }
0xdf: {  	v11 =	vld [tilespmem:s14+$0xA1F0];
	v25 =	vmax.f32 v27, $0.0e+00;
	v27 =	vmax.f32 v29, $0.0e+00;
	v16 =	vor.u32 v16, v0  }
0xe0: {  	v15 =	vld [tilespmem:s14+$0x21F0];
	v37 =	vor.u32 v60, v0;
	vm15 =	vmor vm13, vm12;
	v30 =	vsel vm14, v36, v28  }
0xe1: {  	v12 =	vld [tilespmem:s14+$0xA070];
	v28 =	vmax.f32 v24, $0.0e+00;
	v21 =	vsel vm1, v16, v55;
	v16 =	vadd.f32 v14, v31  }
0xe2: {  	v13 =	vadd.f32 v23, v22;
	v22 =	vsel vm9, v35, v56;
	v23 =	vsel vm15, v37, v57;
	v14 =	vld [tilespmem:s14+$0x2070]  }
0xe3: {  	s15 =	simm.s32 $0x1800;
	v26 =	vmax.f32 v21, $0.0e+00;
	v21 =	vld [tilespmem:s14+$0xA0F0];
	v24 =	vmax.f32 v22, $0.0e+00;
	v22 =	vmax.f32 v30, $0.0e+00  }
.LBB2_2:
0xe4: {  	p0 =	sne.s32 s15, $0x1F800;
	v29 =	vld [tilespmem:s14+$0x20F0];
	v18 =	vmul.f32 v18, v28;
	v17 =	vmul.f32 v17, v26;
	v23 =	vmax.f32 v23, $0.0e+00  }
0xe5: {  	v20 =	vmul.f32 v20, v25;
	v19 =	vmul.f32 v19, v27;
	v1 =	vadd.f32 v9, v1;
	v26 =	vld [tilespmem:s14+$0xA170]  }
0xe6: {  	v10 =	vmul.f32 v10, v24;
	v16 =	vmul.f32 v16, v22;
	v25 =	vld [tilespmem:s14+$0x2170];
	v6 =	vadd.f32 v18, v6  }
0xe7: {  	v9 =	vmul.f32 v13, v23;
	v7 =	vadd.f32 v17, v7;
	v8 =	vadd.f32 v20, v8;
	v18 =	vld [tilespmem:s14+$0xA000]  }
0xe8: {  	v4 =	vadd.f32 v19, v4;
	v5 =	vadd.f32 v10, v5;
	v13 =	vld [tilespmem:s14+$0x2000]  }
0xe9: {  	v12 =	vsub.f32 v12, v14;
	v10 =	vld [tilespmem:s14+$0xA080];
	v14 =	vsub.f32 v21, v29  }
0xea: {  	v11 =	vsub.f32 v11, v15;
	v3 =	vadd.f32 v16, v3;
	v17 =	vld [tilespmem:s14+$0x2080]  }
0xeb: {  	v12 =	vand.u32 $0x7FFFFFFF, v12;
	v15 =	vld [tilespmem:s14+$0xA010];
	v14 =	vand.u32 $0x7FFFFFFF, v14;
	v16 =	vsub.f32 v26, v25  }
0xec: {  	v11 =	vand.u32 $0x7FFFFFFF, v11;
	v20 =	vmin.f32 v12, $1.000000000e+00;
	v19 =	vld [tilespmem:s14+$0x2010];
	v21 =	vmin.f32 v14, $1.000000000e+00  }
0xed: {  	v23 =	vmul.f32 $5.000000000e-01, v20;
	v22 =	vld [tilespmem:s14+$0xA090];
	v24 =	vmul.f32 $5.000000000e-01, v21;
	v16 =	vand.u32 $0x7FFFFFFF, v16  }
0xee: {  	s13 =	sadd.s32 $0x80, s13;
	v26 =	vmin.f32 v11, $1.000000000e+00;
	v13 =	vsub.f32 v18, v13;
	v18 =	vld [tilespmem:s14+$0x2090];
	v25 =	vmin.f32 v16, $1.000000000e+00  }
0xef: {  	v12 =	vsub.f32 v12, v23;
	v27 =	vld [tilespmem:s13+$0x30];
	v14 =	vsub.f32 v14, v24;
	v23 =	vmul.f32 $5.000000000e-01, v25  }
0xf0: {  	v28 =	vmul.f32 $5.000000000e-01, v26;
	v24 =	vand.u32 $0x7FFFFFFF, v13;
	v13 =	vsub.f32 v10, v17;
	v17 =	vld [tilespmem:s14+$0xA020]  }
0xf1: {  	v12 =	vmul.f32 v12, v20;
	v29 =	vld [tilespmem:s14+$0x2020];
	v14 =	vmul.f32 v14, v21;
	v16 =	vsub.f32 v16, v23  }
0xf2: {  	v10 =	vmin.f32 v24, $1.000000000e+00;
	v20 =	vand.u32 $0x7FFFFFFF, v13;
	v13 =	vsub.f32 v15, v19;
	v15 =	vld [tilespmem:s14+$0xA0A0]  }
0xf3: {  	v11 =	vsub.f32 v11, v28;
	v19 =	vld [tilespmem:s14+$0x20A0];
	v12 =	vadd.f32 v14, v12;
	v14 =	vmul.f32 v16, v25  }
0xf4: {  	v16 =	vsub.f32 v22, v18;
	v18 =	vld [tilespmem:s14+$0xA030];
	v21 =	vand.u32 $0x80000000, v27;
	vm0 =	vlt.f32 v27, $0.0e+00  }
0xf5: {  	v11 =	vmul.f32 v11, v26;
	vm1 =	vgt.f32 v27, $0.0e+00;
	v22 =	vld [tilespmem:s14+$0x2030];
	v12 =	vadd.f32 v14, v12  }
0xf6: {  	v21 =	vor.u32 v21, v0;
	vm0 =	vmor vm1, vm0;
	v14 =	vsub.f32 v17, v29;
	v17 =	vld [tilespmem:s14+$0xA0B0]  }
0xf7: {  	v23 =	vand.u32 $0x7FFFFFFF, v13;
	v21 =	vsel vm0, v21, v27;
	v13 =	vld [tilespmem:s14+$0x20B0];
	v11 =	vadd.f32 v11, v12  }
0xf8: {  	v16 =	vand.u32 $0x7FFFFFFF, v16;
	v12 =	vsub.f32 v15, v19;
	v15 =	vld [tilespmem:s14+$0xA040];
	v19 =	vmax.f32 v21, $0.0e+00  }
0xf9: {  	v21 =	vmin.f32 v20, $1.000000000e+00;
	v14 =	vand.u32 $0x7FFFFFFF, v14;
	v25 =	vld [tilespmem:s14+$0x2040];
	v11 =	vmul.f32 v11, v19  }
0xfa: {  	v19 =	vmin.f32 v23, $1.000000000e+00;
	v26 =	vand.u32 $0x7FFFFFFF, v12;
	v18 =	vsub.f32 v18, v22;
	v22 =	vld [tilespmem:s14+$0xA0C0]  }
0xfb: {  	v27 =	vmin.f32 v16, $1.000000000e+00;
	v12 =	vmin.f32 v14, $1.000000000e+00;
	v28 =	vld [tilespmem:s14+$0x20C0];
	v2 =	vadd.f32 v11, v2  }
0xfc: {  	v29 =	vmin.f32 v26, $1.000000000e+00;
	v11 =	vand.u32 $0x7FFFFFFF, v18;
	v17 =	vsub.f32 v17, v13;
	v18 =	vld [tilespmem:s14+$0xA050]  }
0xfd: {  	v30 =	vmul.f32 $5.000000000e-01, v10;
	v31 =	vmul.f32 $5.000000000e-01, v21;
	v13 =	vmin.f32 v11, $1.000000000e+00;
	v32 =	vld [tilespmem:s14+$0x2050]  }
0xfe: {  	v33 =	vmul.f32 $5.000000000e-01, v19;
	v17 =	vand.u32 $0x7FFFFFFF, v17;
	v15 =	vsub.f32 v15, v25;
	v25 =	vld [tilespmem:s14+$0xA0D0]  }
0xff: {  	v34 =	vmul.f32 $5.000000000e-01, v27;
	v35 =	vmul.f32 $5.000000000e-01, v12;
	v36 =	vmin.f32 v17, $1.000000000e+00;
	v37 =	vld [tilespmem:s14+$0x20D0]  }
0x100: {  	v38 =	vmul.f32 $5.000000000e-01, v29;
	v15 =	vand.u32 $0x7FFFFFFF, v15;
	v22 =	vsub.f32 v22, v28;
	v28 =	vld [tilespmem:s14+$0xA060]  }
0x101: {  	v39 =	vmul.f32 $5.000000000e-01, v13;
	v40 =	vmul.f32 $5.000000000e-01, v36;
	v41 =	vmin.f32 v15, $1.000000000e+00;
	v42 =	vld [tilespmem:s14+$0x2060]  }
0x102: {  	v43 =	vmul.f32 $5.000000000e-01, v41;
	v22 =	vand.u32 $0x7FFFFFFF, v22;
	v18 =	vsub.f32 v18, v32;
	v32 =	vld [tilespmem:s14+$0xA0E0]  }
0x103: {  	v24 =	vsub.f32 v24, v30;
	v20 =	vsub.f32 v20, v31;
	v30 =	vmin.f32 v22, $1.000000000e+00;
	v31 =	vld [tilespmem:s14+$0x20E0]  }
0x104: {  	v44 =	vld [tilespmem:s14+$0xA100];
	v45 =	vmul.f32 $5.000000000e-01, v30;
	v18 =	vand.u32 $0x7FFFFFFF, v18;
	v25 =	vsub.f32 v25, v37  }
0x105: {  	v16 =	vsub.f32 v16, v34;
	v23 =	vsub.f32 v23, v33;
	v37 =	vld [tilespmem:s14+$0x2100];
	v33 =	vmin.f32 v18, $1.000000000e+00  }
0x106: {  	v34 =	vld [tilespmem:s14+$0xA110];
	v46 =	vmul.f32 $5.000000000e-01, v33;
	v25 =	vand.u32 $0x7FFFFFFF, v25;
	v28 =	vsub.f32 v28, v42  }
0x107: {  	v14 =	vsub.f32 v14, v35;
	v26 =	vsub.f32 v26, v38;
	v42 =	vld [tilespmem:s14+$0x2110];
	v35 =	vmin.f32 v25, $1.000000000e+00  }
0x108: {  	v38 =	vld [tilespmem:s14+$0xA120];
	v47 =	vmul.f32 $5.000000000e-01, v35;
	v28 =	vand.u32 $0x7FFFFFFF, v28;
	v31 =	vsub.f32 v32, v31  }
0x109: {  	v39 =	vsub.f32 v11, v39;
	v17 =	vsub.f32 v17, v40;
	v32 =	vld [tilespmem:s14+$0x2120];
	v40 =	vmin.f32 v28, $1.000000000e+00  }
0x10a: {  	v11 =	vsub.f32 v44, v37;
	v37 =	vld [tilespmem:s14+$0xA130];
	v44 =	vmul.f32 $5.000000000e-01, v40;
	v31 =	vand.u32 $0x7FFFFFFF, v31  }
0x10b: {  	v15 =	vsub.f32 v15, v43;
	v22 =	vsub.f32 v22, v45;
	v48 =	vld [tilespmem:s14+$0x2130];
	v43 =	vmin.f32 v31, $1.000000000e+00  }
0x10c: {  	v45 =	vand.u32 $0x7FFFFFFF, v11;
	v34 =	vsub.f32 v34, v42;
	v42 =	vld [tilespmem:s14+$0xA140];
	v49 =	vmul.f32 $5.000000000e-01, v43  }
0x10d: {  	v18 =	vsub.f32 v18, v46;
	v25 =	vsub.f32 v25, v47;
	v11 =	vmin.f32 v45, $1.000000000e+00;
	v50 =	vld [tilespmem:s14+$0x2140]  }
0x10e: {  	v28 =	vsub.f32 v28, v44;
	v34 =	vand.u32 $0x7FFFFFFF, v34;
	v32 =	vsub.f32 v38, v32;
	v38 =	vld [tilespmem:s14+$0xA150]  }
0x10f: {  	v44 =	vmul.f32 $5.000000000e-01, v11;
	v31 =	vsub.f32 v31, v49;
	v46 =	vmin.f32 v34, $1.000000000e+00;
	v47 =	vld [tilespmem:s14+$0x2150]  }
0x110: {  	v49 =	vmul.f32 $5.000000000e-01, v46;
	v32 =	vand.u32 $0x7FFFFFFF, v32;
	v37 =	vsub.f32 v37, v48;
	v48 =	vld [tilespmem:s14+$0xA160]  }
0x111: {  	v24 =	vmul.f32 v24, v10;
	v20 =	vmul.f32 v20, v21;
	v21 =	vmin.f32 v32, $1.000000000e+00;
	v10 =	vld [tilespmem:s14+$0x2160]  }
0x112: {  	v51 =	vld [tilespmem:s14+$0xA180];
	v52 =	vmul.f32 $5.000000000e-01, v21;
	v37 =	vand.u32 $0x7FFFFFFF, v37;
	v42 =	vsub.f32 v42, v50  }
0x113: {  	v16 =	vmul.f32 v16, v27;
	v19 =	vmul.f32 v23, v19;
	v50 =	vld [tilespmem:s14+$0x2180];
	v23 =	vmin.f32 v37, $1.000000000e+00  }
0x114: {  	v27 =	vld [tilespmem:s14+$0xA190];
	v53 =	vmul.f32 $5.000000000e-01, v23;
	v42 =	vand.u32 $0x7FFFFFFF, v42;
	v38 =	vsub.f32 v38, v47  }
0x115: {  	v54 =	vmul.f32 v14, v12;
	v26 =	vmul.f32 v26, v29;
	v47 =	vld [tilespmem:s14+$0x2190];
	v29 =	vmin.f32 v42, $1.000000000e+00  }
0x116: {  	v12 =	vld [tilespmem:s14+$0xA1A0];
	v14 =	vmul.f32 $5.000000000e-01, v29;
	v38 =	vand.u32 $0x7FFFFFFF, v38;
	v10 =	vsub.f32 v48, v10  }
0x117: {  	v39 =	vmul.f32 v39, v13;
	v17 =	vmul.f32 v17, v36;
	v48 =	vld [tilespmem:s14+$0x21A0];
	v36 =	vmin.f32 v38, $1.000000000e+00  }
0x118: {  	v13 =	vsub.f32 v51, v50;
	v50 =	vld [tilespmem:s14+$0xA1B0];
	v51 =	vmul.f32 $5.000000000e-01, v36;
	v55 =	vand.u32 $0x7FFFFFFF, v10  }
0x119: {  	v15 =	vmul.f32 v15, v41;
	v22 =	vmul.f32 v22, v30;
	v10 =	vld [tilespmem:s14+$0x21B0];
	v30 =	vmin.f32 v55, $1.000000000e+00  }
0x11a: {  	v41 =	vand.u32 $0x7FFFFFFF, v13;
	v13 =	vsub.f32 v27, v47;
	v27 =	vld [tilespmem:s14+$0xA1C0];
	v47 =	vmul.f32 $5.000000000e-01, v30  }
0x11b: {  	v18 =	vmul.f32 v18, v33;
	v25 =	vmul.f32 v25, v35;
	v56 =	vmin.f32 v41, $1.000000000e+00;
	v57 =	vld [tilespmem:s14+$0x21C0]  }
0x11c: {  	v28 =	vmul.f32 v28, v40;
	v33 =	vand.u32 $0x7FFFFFFF, v13;
	v12 =	vsub.f32 v12, v48;
	v35 =	vld [tilespmem:s14+$0xA1D0]  }
0x11d: {  	v40 =	vsub.f32 v45, v44;
	v31 =	vmul.f32 v31, v43;
	v44 =	vmin.f32 v33, $1.000000000e+00;
	v45 =	vld [tilespmem:s14+$0x21D0]  }
0x11e: {  	v34 =	vsub.f32 v34, v49;
	v43 =	vand.u32 $0x7FFFFFFF, v12;
	v12 =	vsub.f32 v50, v10;
	v48 =	vld [tilespmem:s14+$0xA1E0]  }
0x11f: {  	v32 =	vsub.f32 v32, v52;
	v37 =	vsub.f32 v37, v53;
	v49 =	vmin.f32 v43, $1.000000000e+00;
	v50 =	vld [tilespmem:s14+$0x21E0]  }
0x120: {  	v42 =	vsub.f32 v42, v14;
	v10 =	vld [tilespmem:s13+$0xFFFFFFD0];
	v52 =	vand.u32 $0x7FFFFFFF, v12;
	v14 =	vsub.f32 v27, v57  }
0x121: {  	v38 =	vsub.f32 v38, v51;
	v47 =	vsub.f32 v55, v47;
	v12 =	vld [tilespmem:s13+$0xFFFFFFE0];
	v27 =	vmin.f32 v52, $1.000000000e+00  }
0x122: {  	v51 =	vmul.f32 $5.000000000e-01, v56;
	v13 =	vld [tilespmem:s13+$0xFFFFFFF0];
	v53 =	vand.u32 $0x7FFFFFFF, v14;
	v35 =	vsub.f32 v35, v45  }
0x123: {  	v55 =	vmul.f32 $5.000000000e-01, v49;
	v45 =	vmul.f32 $5.000000000e-01, v44;
	v14 =	vld [tilespmem:s13+$0x0];
	v57 =	vmin.f32 v53, $1.000000000e+00  }
0x124: {  	v58 =	vmul.f32 $5.000000000e-01, v27;
	v59 =	vld [tilespmem:s13+$0x10];
	v35 =	vand.u32 $0x7FFFFFFF, v35;
	v48 =	vsub.f32 v48, v50  }
0x125: {  	v20 =	vadd.f32 v20, v24;
	v24 =	vmul.f32 $5.000000000e-01, v57;
	v50 =	vmin.f32 v35, $1.000000000e+00;
	v60 =	vld [tilespmem:s13+$0x20]  }
0x126: {  	v16 =	vadd.f32 v16, v19;
	v61 =	vld [tilespmem:s13+$0xFFFFFFC0];
	v19 =	vmul.f32 $5.000000000e-01, v50;
	v48 =	vand.u32 $0x7FFFFFFF, v48  }
0x127: {  	v26 =	vadd.f32 v26, v54;
	v17 =	vadd.f32 v17, v39;
	v39 =	vmin.f32 v48, $1.000000000e+00  }
0x128: {  	v15 =	vadd.f32 v22, v15;
	v18 =	vadd.f32 v25, v18;
	v22 =	vmul.f32 $5.000000000e-01, v39  }
0x129: {  	v11 =	vmul.f32 v40, v11;
	v28 =	vadd.f32 v31, v28;
	v25 =	vmul.f32 v34, v46  }
0x12a: {  	v21 =	vmul.f32 v32, v21;
	v23 =	vmul.f32 v37, v23;
	v31 =	vsub.f32 v41, v51  }
0x12b: {  	v29 =	vmul.f32 v42, v29;
	v32 =	vsub.f32 v33, v45;
	v33 =	vmul.f32 v38, v36  }
0x12c: {  	v30 =	vmul.f32 v47, v30;
	v34 =	vsub.f32 v43, v55;
	v36 =	vsub.f32 v52, v58  }
0x12d: {  	v31 =	vmul.f32 v31, v56;
	v24 =	vsub.f32 v53, v24;
	v19 =	vsub.f32 v35, v19  }
0x12e: {  	v11 =	vadd.f32 v11, v20;
	v20 =	vmul.f32 v32, v44;
	v22 =	vsub.f32 v48, v22  }
0x12f: {  	v16 =	vadd.f32 v25, v16;
	v21 =	vadd.f32 v21, v26;
	v25 =	vmul.f32 v34, v49  }
0x130: {  	v23 =	vadd.f32 v23, v17;
	v15 =	vadd.f32 v29, v15;
	v26 =	vmul.f32 v36, v27  }
0x131: {  	v28 =	vadd.f32 v30, v28;
	v27 =	vadd.f32 v33, v18;
	v24 =	vmul.f32 v24, v57  }
0x132: {  	v29 =	vmul.f32 v19, v50;
	v17 =	vand.u32 $0x80000000, v61;
	v22 =	vmul.f32 v22, v39  }
0x133: {  	v18 =	vand.u32 $0x80000000, v10;
	vm0 =	vlt.f32 v61, $0.0e+00;
	vm1 =	vgt.f32 v61, $0.0e+00  }
0x134: {  	vm2 =	vlt.f32 v10, $0.0e+00;
	vm3 =	vgt.f32 v10, $0.0e+00;
	v19 =	vand.u32 $0x80000000, v12  }
0x135: {  	vm4 =	vlt.f32 v12, $0.0e+00;
	vm5 =	vgt.f32 v12, $0.0e+00;
	v30 =	vand.u32 $0x80000000, v13  }
0x136: {  	vm6 =	vlt.f32 v13, $0.0e+00;
	vm7 =	vgt.f32 v13, $0.0e+00;
	v32 =	vand.u32 $0x80000000, v14  }
0x137: {  	vm8 =	vlt.f32 v14, $0.0e+00;
	vm9 =	vgt.f32 v14, $0.0e+00;
	v33 =	vand.u32 $0x80000000, v59  }
0x138: {  	vm10 =	vlt.f32 v59, $0.0e+00;
	vm11 =	vgt.f32 v59, $0.0e+00;
	v34 =	vand.u32 $0x80000000, v60  }
0x139: {  	vm12 =	vlt.f32 v60, $0.0e+00;
	vm13 =	vgt.f32 v60, $0.0e+00;
	v35 =	vor.u32 v17, v0  }
0x13a: {  	v36 =	vor.u32 v18, v0;
	vm0 =	vmor vm1, vm0;
	vm1 =	vmor vm3, vm2  }
0x13b: {  	v30 =	vor.u32 v30, v0;
	v37 =	vor.u32 v19, v0;
	vm2 =	vmor vm5, vm4  }
0x13c: {  	v32 =	vor.u32 v32, v0;
	vm3 =	vmor vm7, vm6;
	vm4 =	vmor vm9, vm8  }
0x13d: {  	v33 =	vor.u32 v33, v0;
	v34 =	vor.u32 v34, v0;
	vm5 =	vmor vm11, vm10  }
0x13e: {  	v18 =	vadd.f32 v31, v11;
	v17 =	vadd.f32 v20, v16;
	vm6 =	vmor vm13, vm12  }
0x13f: {  	s14 =	sshra.s32 s15, $0x2;
	v19 =	vadd.f32 v26, v23;
	v20 =	vadd.f32 v25, v21;
	v31 =	vsel vm0, v35, v61  }
.Ltmp0:
0x140: {  	v16 =	vadd.f32 v29, v27;
	v21 =	vsel vm1, v36, v10;
	v10 =	vadd.f32 v24, v15;
	v11 =	vld [tilespmem:s14+$0xA1F0];
	(pc) =	sbr.rel @p0 .LBB2_2-.Ltmp0, $4  }
0x141: {  	v24 =	vsel vm2, v37, v12;
	v27 =	vsel vm3, v30, v13;
	v13 =	vadd.f32 v22, v28;
	v15 =	vld [tilespmem:s14+$0x21F0]  }
0x142: {  	v29 =	vsel vm5, v33, v59;
	v23 =	vsel vm6, v34, v60;
	v22 =	vsel vm4, v32, v14;
	v12 =	vld [tilespmem:s14+$0xA070]  }
0x143: {  	v28 =	vmax.f32 v31, $0.0e+00;
	v26 =	vmax.f32 v21, $0.0e+00;
	v25 =	vmax.f32 v24, $0.0e+00;
	v14 =	vld [tilespmem:s14+$0x2070]  }
0x144: {  	s15 =	sadd.s32 $0x800, s15;
	v27 =	vmax.f32 v27, $0.0e+00;
	v24 =	vmax.f32 v22, $0.0e+00;
	v22 =	vmax.f32 v29, $0.0e+00;
	v21 =	vld [tilespmem:s14+$0xA0F0]  }
0x145: {  	v29 =	vld [tilespmem:s14+$0x20F0]  }
0x146: {  	v30 =	vld [tilespmem:s14+$0xA170]  }
0x147: {  	v45 =	vld [tilespmem:s14+$0x2170]  }
0x148: {  	v46 =	vld [tilespmem:s14+$0xA000]  }
0x149: {  	v47 =	vld [tilespmem:s14+$0x2000]  }
0x14a: {  	v48 =	vld [tilespmem:s14+$0xA080]  }
0x14b: {  	v50 =	vld [tilespmem:s14+$0x2080]  }
0x14c: {  	v51 =	vld [tilespmem:s14+$0xA010]  }
0x14d: {  	v53 =	vld [tilespmem:s14+$0x2010]  }
0x14e: {  	v57 =	vld [tilespmem:s14+$0xA090]  }
0x14f: {  	v18 =	vmul.f32 v18, v28;
	v17 =	vmul.f32 v17, v26;
	v60 =	vld [tilespmem:s14+$0x2090]  }
0x150: {  	v20 =	vmul.f32 v20, v25;
	v19 =	vmul.f32 v19, v27;
	v63 =	vld [tilespmem:s14+$0xA020]  }
0x151: {  	v1 =	vadd.f32 v9, v1;
	v24 =	vmul.f32 v10, v24;
	v34 =	vld [tilespmem:s14+$0x2020];
	v11 =	vsub.f32 v11, v15  }
0x152: {  	v16 =	vmul.f32 v16, v22;
	v35 =	vld [tilespmem:s14+$0xA0A0];
	v9 =	vadd.f32 v18, v6;
	v10 =	vadd.f32 v17, v7  }
0x153: {  	v23 =	vmax.f32 v23, $0.0e+00;
	s13 =	sadd.s32 $0x80, s13;
	v37 =	vld [tilespmem:s14+$0x20A0];
	v7 =	vadd.f32 v20, v8;
	v8 =	vadd.f32 v19, v4  }
0x154: {  	v61 =	vld [tilespmem:s13+$0x30];
	v6 =	vmul.f32 v13, v23;
	v4 =	vadd.f32 v24, v5;
	v3 =	vadd.f32 v16, v3  }
0x155: {  	v12 =	vsub.f32 v12, v14;
	v11 =	vand.u32 $0x7FFFFFFF, v11;
	v49 =	vsub.f32 v21, v29  }
0x156: {  	v32 =	vmin.f32 v11, $1.000000000e+00;
	v54 =	vsub.f32 v30, v45;
	v18 =	vsub.f32 v46, v47  }
0x157: {  	v12 =	vand.u32 $0x7FFFFFFF, v12;
	v17 =	vsub.f32 v48, v50;
	v14 =	vsub.f32 v51, v53  }
0x158: {  	v36 =	vmul.f32 $5.000000000e-01, v32;
	v41 =	vsub.f32 v57, v60;
	v16 =	vsub.f32 v63, v34  }
0x159: {  	v19 =	vsub.f32 v35, v37;
	v55 =	vmin.f32 v12, $1.000000000e+00;
	v43 =	vand.u32 $0x80000000, v61  }
0x15a: {  	v39 =	vld [tilespmem:s14+$0xA030];
	vm0 =	vlt.f32 v61, $0.0e+00;
	vm1 =	vgt.f32 v61, $0.0e+00;
	v52 =	vand.u32 $0x7FFFFFFF, v49  }
0x15b: {  	v44 =	vld [tilespmem:s14+$0xA0B0];
	v58 =	vmul.f32 $5.000000000e-01, v55;
	v15 =	vand.u32 $0x7FFFFFFF, v54;
	v18 =	vand.u32 $0x7FFFFFFF, v18  }
0x15c: {  	v45 =	vld [tilespmem:s14+$0x20B0];
	v17 =	vand.u32 $0x7FFFFFFF, v17;
	v11 =	vsub.f32 v11, v36;
	v46 =	vor.u32 v43, v0  }
0x15d: {  	v47 =	vld [tilespmem:s14+$0xA040];
	vm0 =	vmor vm1, vm0;
	v14 =	vand.u32 $0x7FFFFFFF, v14;
	v16 =	vand.u32 $0x7FFFFFFF, v16  }
0x15e: {  	v48 =	vld [tilespmem:s14+$0x2040];
	v19 =	vand.u32 $0x7FFFFFFF, v19;
	v56 =	vmin.f32 v52, $1.000000000e+00;
	v62 =	vmin.f32 v15, $1.000000000e+00  }
0x15f: {  	v42 =	vld [tilespmem:s14+$0x2030];
	v21 =	vmin.f32 v18, $1.000000000e+00;
	v26 =	vmin.f32 v17, $1.000000000e+00;
	v27 =	vmin.f32 v14, $1.000000000e+00  }
0x160: {  	v50 =	vld [tilespmem:s14+$0x20C0];
	v30 =	vmin.f32 v16, $1.000000000e+00;
	v31 =	vmin.f32 v19, $1.000000000e+00;
	v59 =	vmul.f32 $5.000000000e-01, v56  }
0x161: {  	v49 =	vld [tilespmem:s14+$0xA0C0];
	v12 =	vsub.f32 v12, v58;
	v33 =	vmul.f32 $5.000000000e-01, v62;
	v11 =	vmul.f32 v11, v32  }
0x162: {  	v34 =	vld [tilespmem:s14+$0x2050];
	v51 =	vmul.f32 $5.000000000e-01, v21;
	v36 =	vmul.f32 $5.000000000e-01, v27;
	v23 =	vsub.f32 v44, v45  }
0x163: {  	v53 =	vld [tilespmem:s14+$0xA060];
	v22 =	vsub.f32 v47, v48;
	v13 =	vsub.f32 v52, v59;
	v12 =	vmul.f32 v12, v55  }
0x164: {  	v32 =	vld [tilespmem:s14+$0xA050];
	v15 =	vsub.f32 v15, v33;
	v33 =	vmul.f32 $5.000000000e-01, v26;
	v18 =	vsub.f32 v18, v51  }
0x165: {  	v54 =	vld [tilespmem:s14+$0x20E0];
	v14 =	vsub.f32 v14, v36;
	v23 =	vand.u32 $0x7FFFFFFF, v23;
	v22 =	vand.u32 $0x7FFFFFFF, v22  }
0x166: {  	v44 =	vld [tilespmem:s14+$0x2060];
	v20 =	vsub.f32 v49, v50;
	v13 =	vmul.f32 v13, v56;
	v40 =	vmul.f32 v15, v62  }
0x167: {  	v47 =	vld [tilespmem:s14+$0xA0E0];
	v15 =	vand.u32 $0x7FFFFFFF, v41;
	v41 =	vmul.f32 $5.000000000e-01, v31;
	v43 =	vmin.f32 v22, $1.000000000e+00  }
0x168: {  	v60 =	vld [tilespmem:s14+$0x2120];
	v17 =	vsub.f32 v17, v33;
	v18 =	vmul.f32 v18, v21;
	v14 =	vmul.f32 v14, v27  }
0x169: {  	v59 =	vld [tilespmem:s14+$0xA120];
	v28 =	vmin.f32 v15, $1.000000000e+00;
	v20 =	vand.u32 $0x7FFFFFFF, v20;
	v32 =	vsub.f32 v32, v34  }
0x16a: {  	v38 =	vadd.f32 v13, v12;
	v12 =	vsel vm0, v46, v61;
	v13 =	vsub.f32 v39, v42  }
0x16b: {  	v57 =	vld [tilespmem:s14+$0xA110];
	v37 =	vmul.f32 $5.000000000e-01, v28;
	v46 =	vmul.f32 $5.000000000e-01, v43;
	v29 =	vsub.f32 v53, v44  }
0x16c: {  	v49 =	vld [tilespmem:s14+$0x2110];
	v24 =	vmin.f32 v20, $1.000000000e+00;
	v19 =	vsub.f32 v19, v41;
	v34 =	vsub.f32 v47, v54  }
0x16d: {  	v55 =	vld [tilespmem:s14+$0xA100];
	v17 =	vmul.f32 v17, v26;
	v48 =	vmul.f32 $5.000000000e-01, v24;
	v32 =	vand.u32 $0x7FFFFFFF, v32  }
0x16e: {  	v56 =	vld [tilespmem:s14+$0x2100];
	v41 =	vsub.f32 v59, v60;
	v5 =	vadd.f32 v40, v38;
	v13 =	vand.u32 $0x7FFFFFFF, v13  }
0x16f: {  	v63 =	vld [tilespmem:s14+$0xA140];
	v38 =	vmul.f32 $5.000000000e-01, v30;
	v40 =	vmin.f32 v23, $1.000000000e+00;
	v15 =	vsub.f32 v15, v37  }
0x170: {  	v52 =	vld [tilespmem:s14+$0xA0D0];
	v36 =	vmin.f32 v32, $1.000000000e+00;
	v29 =	vand.u32 $0x7FFFFFFF, v29;
	v34 =	vand.u32 $0x7FFFFFFF, v34  }
0x171: {  	v51 =	vld [tilespmem:s14+$0x2130];
	v22 =	vsub.f32 v22, v46;
	v37 =	vsub.f32 v57, v49;
	v19 =	vmul.f32 v19, v31  }
0x172: {  	v39 =	vld [tilespmem:s14+$0x20D0];
	v17 =	vadd.f32 v17, v18;
	v35 =	vmin.f32 v13, $1.000000000e+00;
	v45 =	vmul.f32 $5.000000000e-01, v40  }
0x173: {  	v61 =	vld [tilespmem:s14+$0xA130];
	v58 =	vmul.f32 $5.000000000e-01, v36;
	v33 =	vsub.f32 v55, v56;
	v20 =	vsub.f32 v20, v48  }
0x174: {  	v53 =	vld [tilespmem:s14+$0x2140];
	v46 =	vmin.f32 v34, $1.000000000e+00;
	v41 =	vand.u32 $0x7FFFFFFF, v41;
	v42 =	vmul.f32 $5.000000000e-01, v35  }
0x175: {  	v16 =	vsub.f32 v16, v38;
	v57 =	vmul.f32 $5.000000000e-01, v46;
	v37 =	vand.u32 $0x7FFFFFFF, v37  }
0x176: {  	v21 =	vmin.f32 v41, $1.000000000e+00;
	v15 =	vmul.f32 v15, v28;
	v22 =	vmul.f32 v22, v43  }
0x177: {  	v25 =	vsub.f32 v52, v39;
	v23 =	vsub.f32 v23, v45;
	v33 =	vand.u32 $0x7FFFFFFF, v33  }
0x178: {  	v54 =	vld [tilespmem:s14+$0xA160];
	v32 =	vsub.f32 v32, v58;
	v47 =	vmin.f32 v37, $1.000000000e+00;
	v39 =	vsub.f32 v61, v51  }
0x179: {  	v59 =	vld [tilespmem:s14+$0x2150];
	v55 =	vmul.f32 $5.000000000e-01, v21;
	v48 =	vsub.f32 v63, v53;
	v20 =	vmul.f32 v20, v24  }
0x17a: {  	v60 =	vld [tilespmem:s14+$0xA190];
	v13 =	vsub.f32 v13, v42;
	v42 =	vmin.f32 v29, $1.000000000e+00;
	v52 =	vmin.f32 v33, $1.000000000e+00  }
0x17b: {  	v56 =	vld [tilespmem:s14+$0x2190];
	v34 =	vsub.f32 v34, v57;
	v49 =	vmul.f32 $5.000000000e-01, v47;
	v16 =	vmul.f32 v16, v30  }
0x17c: {  	v31 =	vld [tilespmem:s14+$0xA1A0];
	v14 =	vadd.f32 v15, v14;
	v25 =	vand.u32 $0x7FFFFFFF, v25;
	v62 =	vmul.f32 $5.000000000e-01, v42  }
0x17d: {  	v43 =	vld [tilespmem:s14+$0xA1C0];
	v45 =	vmul.f32 $5.000000000e-01, v52;
	v39 =	vand.u32 $0x7FFFFFFF, v39;
	v48 =	vand.u32 $0x7FFFFFFF, v48  }
0x17e: {  	v58 =	vld [tilespmem:s14+$0xA150];
	v23 =	vmul.f32 v23, v40;
	v32 =	vmul.f32 v32, v36;
	v41 =	vsub.f32 v41, v55  }
0x17f: {  	v61 =	vld [tilespmem:s14+$0x2160];
	v20 =	vadd.f32 v20, v22;
	v38 =	vmin.f32 v25, $1.000000000e+00;
	v27 =	vmin.f32 v39, $1.000000000e+00  }
0x180: {  	v63 =	vld [tilespmem:s14+$0x2180];
	v30 =	vmin.f32 v48, $1.000000000e+00;
	v13 =	vmul.f32 v13, v35;
	v28 =	vsub.f32 v60, v56  }
0x181: {  	v40 =	vld [tilespmem:s14+$0xA1B0];
	v34 =	vmul.f32 v34, v46;
	v37 =	vsub.f32 v37, v49;
	v16 =	vadd.f32 v19, v16  }
0x182: {  	v36 =	vld [tilespmem:s14+$0xA1D0];
	v50 =	vmul.f32 $5.000000000e-01, v38;
	v29 =	vsub.f32 v29, v62;
	v57 =	vmul.f32 $5.000000000e-01, v30  }
0x183: {  	v60 =	vld [tilespmem:s14+$0x21C0];
	v33 =	vsub.f32 v33, v45;
	v21 =	vmul.f32 v41, v21;
	v44 =	vsub.f32 v58, v59  }
0x184: {  	v62 =	vld [tilespmem:s14+$0xA180];
	v51 =	vsub.f32 v54, v61;
	v28 =	vand.u32 $0x7FFFFFFF, v28;
	v13 =	vadd.f32 v23, v13  }
0x185: {  	v54 =	vld [tilespmem:s14+$0x21A0];
	v25 =	vsub.f32 v25, v50;
	v50 =	vmul.f32 $5.000000000e-01, v27;
	v29 =	vmul.f32 v29, v42  }
0x186: {  	v58 =	vld [tilespmem:s14+$0x21B0];
	v48 =	vsub.f32 v48, v57;
	v44 =	vand.u32 $0x7FFFFFFF, v44;
	v51 =	vand.u32 $0x7FFFFFFF, v51  }
0x187: {  	v61 =	vld [tilespmem:s14+$0x21D0];
	v16 =	vadd.f32 v21, v16;
	v35 =	vmin.f32 v44, $1.000000000e+00;
	v24 =	vmin.f32 v51, $1.000000000e+00  }
0x188: {  	v25 =	vmul.f32 v25, v38;
	v38 =	vmin.f32 v28, $1.000000000e+00;
	v39 =	vsub.f32 v39, v50  }
0x189: {  	v43 =	vsub.f32 v43, v60;
	v29 =	vadd.f32 v34, v29;
	v30 =	vmul.f32 v48, v30  }
0x18a: {  	v26 =	vsub.f32 v62, v63;
	v53 =	vmul.f32 $5.000000000e-01, v35;
	v56 =	vmul.f32 $5.000000000e-01, v24  }
0x18b: {  	v42 =	vmul.f32 $5.000000000e-01, v38;
	v31 =	vsub.f32 v31, v54;
	v40 =	vsub.f32 v40, v58  }
0x18c: {  	v43 =	vand.u32 $0x7FFFFFFF, v43;
	v36 =	vsub.f32 v36, v61;
	v61 =	vadd.f32 v25, v32  }
0x18d: {  	v62 =	vld [tilespmem:s14+$0xA1E0];
	v27 =	vmul.f32 v39, v27;
	v20 =	vadd.f32 v30, v20;
	v26 =	vand.u32 $0x7FFFFFFF, v26  }
0x18e: {  	v63 =	vld [tilespmem:s14+$0x21E0];
	v44 =	vsub.f32 v44, v53;
	v51 =	vsub.f32 v51, v56;
	v55 =	vmin.f32 v43, $1.000000000e+00  }
0x18f: {  	v28 =	vsub.f32 v28, v42;
	v59 =	vmin.f32 v26, $1.000000000e+00;
	v31 =	vand.u32 $0x7FFFFFFF, v31  }
0x190: {  	v40 =	vand.u32 $0x7FFFFFFF, v40;
	v36 =	vand.u32 $0x7FFFFFFF, v36;
	v18 =	vmul.f32 $5.000000000e-01, v55  }
0x191: {  	v13 =	vadd.f32 v27, v13;
	v46 =	vmin.f32 v31, $1.000000000e+00;
	v50 =	vmin.f32 v40, $1.000000000e+00  }
0x192: {  	v53 =	vmul.f32 $5.000000000e-01, v59;
	v49 =	vmin.f32 v36, $1.000000000e+00;
	v24 =	vmul.f32 v51, v24  }
0x193: {  	v54 =	vmul.f32 $5.000000000e-01, v46;
	v56 =	vmul.f32 $5.000000000e-01, v50;
	v45 =	vsub.f32 v62, v63  }
0x194: {  	v58 =	vmul.f32 $5.000000000e-01, v49;
	v62 =	vmul.f32 v33, v52;
	v18 =	vsub.f32 v43, v18  }
0x195: {  	v63 =	vmul.f32 v37, v47;
	v26 =	vsub.f32 v26, v53;
	v24 =	vadd.f32 v24, v29  }
0x196: {  	v47 =	vmul.f32 v44, v35;
	v52 =	vld [tilespmem:s13+$0xFFFFFFC0];
	v31 =	vsub.f32 v31, v54;
	v48 =	vsub.f32 v40, v56  }
0x197: {  	v44 =	vld [tilespmem:s13+$0x20];
	v57 =	vand.u32 $0x7FFFFFFF, v45;
	v36 =	vsub.f32 v36, v58;
	v17 =	vadd.f32 v62, v17  }
0x198: {  	v54 =	vmul.f32 v28, v38;
	v18 =	vmul.f32 v18, v55;
	v19 =	vmin.f32 v57, $1.000000000e+00  }
0x199: {  	v53 =	vld [tilespmem:s13+$0xFFFFFFD0];
	v14 =	vadd.f32 v63, v14;
	v26 =	vmul.f32 v26, v59;
	v60 =	vmul.f32 $5.000000000e-01, v19  }
0x19a: {  	v23 =	vadd.f32 v47, v61;
	v58 =	vmul.f32 v48, v50;
	v62 =	vmul.f32 v36, v49  }
0x19b: {  	v14 =	vadd.f32 v54, v14;
	v61 =	vand.u32 $0x80000000, v52;
	vm0 =	vlt.f32 v52, $0.0e+00  }
0x19c: {  	v56 =	vld [tilespmem:s13+$0xFFFFFFE0];
	vm1 =	vgt.f32 v52, $0.0e+00;
	v50 =	vand.u32 $0x80000000, v44;
	vm12 =	vlt.f32 v44, $0.0e+00  }
0x19d: {  	v63 =	vld [tilespmem:s13+$0x10];
	vm13 =	vgt.f32 v44, $0.0e+00;
	v17 =	vadd.f32 v26, v17;
	v15 =	vsub.f32 v57, v60  }
0x19e: {  	v57 =	vmul.f32 v31, v46;
	v45 =	vand.u32 $0x80000000, v53;
	vm2 =	vlt.f32 v53, $0.0e+00  }
0x19f: {  	v59 =	vld [tilespmem:s13+$0xFFFFFFF0];
	vm3 =	vgt.f32 v53, $0.0e+00;
	v29 =	vor.u32 v61, v0;
	vm0 =	vmor vm1, vm0  }
0x1a0: {  	v40 =	vor.u32 v50, v0;
	vm15 =	vmor vm13, vm12;
	v13 =	vadd.f32 v58, v13  }
0x1a1: {  	v46 =	vand.u32 $0x80000000, v56;
	vm4 =	vlt.f32 v56, $0.0e+00;
	vm5 =	vgt.f32 v56, $0.0e+00  }
0x1a2: {  	v49 =	vand.u32 $0x80000000, v63;
	vm10 =	vlt.f32 v63, $0.0e+00;
	vm11 =	vgt.f32 v63, $0.0e+00  }
0x1a3: {  	v34 =	vor.u32 v45, v0;
	vm1 =	vmor vm3, vm2;
	v51 =	vsel vm0, v29, v52  }
0x1a4: {  	v15 =	vmul.f32 v15, v19;
	v47 =	vand.u32 $0x80000000, v59;
	vm6 =	vlt.f32 v59, $0.0e+00  }
0x1a5: {  	v60 =	vld [tilespmem:s13+$0x0];
	vm7 =	vgt.f32 v59, $0.0e+00;
	v36 =	vor.u32 v46, v0;
	vm2 =	vmor vm5, vm4  }
0x1a6: {  	v39 =	vor.u32 v49, v0;
	vm14 =	vmor vm11, vm10;
	v22 =	vsel vm1, v34, v53  }
0x1a7: {  	v16 =	vadd.f32 v57, v16;
	v25 =	vmax.f32 v51, $0.0e+00;
	v53 =	vadd.f32 v18, v20  }
0x1a8: {  	v37 =	vor.u32 v47, v0;
	vm3 =	vmor vm7, vm6;
	v22 =	vmax.f32 v22, $0.0e+00  }
0x1a9: {  	v21 =	vsel vm2, v36, v56;
	v17 =	vmul.f32 v17, v25;
	v14 =	vmul.f32 v14, v22  }
0x1aa: {  	v52 =	vsel vm3, v37, v59;
	v21 =	vmax.f32 v21, $0.0e+00;
	v48 =	vand.u32 $0x80000000, v60  }
0x1ab: {  	vm8 =	vlt.f32 v60, $0.0e+00;
	vm9 =	vgt.f32 v60, $0.0e+00;
	v16 =	vmul.f32 v16, v21  }
0x1ac: {  	v9 =	vadd.f32 v17, v9;
	v55 =	vmax.f32 v52, $0.0e+00;
	v10 =	vadd.f32 v14, v10  }
0x1ad: {  	v38 =	vor.u32 v48, v0;
	vm9 =	vmor vm9, vm8;
	v13 =	vmul.f32 v13, v55  }
0x1ae: {  	v54 =	vsel vm9, v38, v60;
	v7 =	vadd.f32 v16, v7;
	v9 =	vadd.f32 v10, v9  }
0x1af: {  	v56 =	vadd.f32 v62, v23;
	v57 =	vsel vm14, v39, v63;
	v17 =	vmax.f32 v54, $0.0e+00  }
0x1b0: {  	v8 =	vadd.f32 v13, v8;
	v14 =	vmul.f32 v53, v17;
	v7 =	vadd.f32 v7, v9  }
0x1b1: {  	v58 =	vadd.f32 v15, v24;
	v59 =	vsel vm15, v40, v44;
	v60 =	vmax.f32 v57, $0.0e+00  }
0x1b2: {  	v10 =	vmul.f32 v56, v60;
	v4 =	vadd.f32 v14, v4;
	v7 =	vadd.f32 v8, v7  }
0x1b3: {  	v1 =	vadd.f32 v6, v1;
	v5 =	vadd.f32 v11, v5;
	v61 =	vmax.f32 v59, $0.0e+00  }
0x1b4: {  	v62 =	vmul.f32 v58, v61;
	v3 =	vadd.f32 v10, v3;
	v4 =	vadd.f32 v4, v7  }
0x1b5: {  	v63 =	vmax.f32 v12, $0.0e+00  }
0x1b6: {  	v5 =	vmul.f32 v5, v63;
	v1 =	vadd.f32 v62, v1;
	v3 =	vadd.f32 v3, v4;
	_ =	sdelay $0x1  }
0x1b7: {  	v2 =	vadd.f32 v5, v2;
	v1 =	vadd.f32 v1, v3;
	_ =	sdelay $0x1  }
0x1b8: {  	s12 =	sadd.s32 $0x1, s12;
	v1 =	vadd.f32 v2, v1  }
0x1b9: {  	p0 =	sne.s32 s12, s7  }
.Ltmp1:
0x1ba: {  	[tilespmem:$0x12000] =	vst v1;
	(pc) =	sbr.rel @p0 .LBB2_1-.Ltmp1, $4  }
0x1bb: {  	[hbm4b:s6+s2] =	stream.linear.scatter [tilespmem:s11], [sflag:$0x1], $0x80, $0x38;
	[tilespmem:$0x12080] =	vst v63  }
0x1bc: {  	_ =	swait.ge [sflag:s8], $0x80  }
0x1bd: {  	[sflag:s8] =	ssyncset.done $0x0  }
0x1be: {  	[sflag:s8] =	ssyncadd.s32 $0xFFFFFF80  }
0x1bf: {  	_ =	sfence.sel $0x180000  }
0x1c0: {  	[bflag:$0x0] =	sbarrier.arrive $0xFFFF  }
0x1c1: {  	p0 =	sne.s32 s1, $0x0;
	_ =	strace $0x90000047  }
0x1c2: {  	s0 =	sadd.s32 @!p0 $0x100000, s0;
	[bflag:$0x2] =	sbarrier.arrive $0xFFFF  }
0x1c3: {  	[sflag:s0] =	ssyncadd.tile.s32 @!p0 $0x1;
	_ =	shalt  }
.Lfunc_end2:
_tile_overlayer_lowered:
.L_overlay_start_2:
0x1c4: {  	(tag) =	ssettag $0x2  }
0x1c5: {  	s0 =	rddreg [dreg:$0x0];
	s2 =	stileid.u32  }
0x1c6: {  	s1 =	rddreg [dreg:$0x1];
	p0 =	sne.s32 s2, $0x0  }
0x1c7: {  	s3 =	rddreg [dreg:$0x2];
	[bflag:$0x3] =	sbarrier.arrive $0xFFFF;
	s2 =	simm.s32 @!p0 $0x1C01  }
0x1c8: {  	[timem:s3], [sflag:s2] =	dma.local @!p0 [hbm:s0], s1  }
0x1c9: {  	s0 =	simm.s32 @!p0 $0x1  }
0x1ca: {  	_ =	swait.ge @!p0 [sflag:s0], s1  }
0x1cb: {  	s1 =	ssub.s32 @!p0 $0x0, s1;
	[sflag:s0] =	ssyncset.done @!p0 $0x0  }
0x1cc: {  	[sflag:s0] =	ssyncadd.s32 @!p0 s1  }
0x1cd: {  	[bflag:$0x3] =	sbarrier.arrive $0xFFFF  }
0x1ce: {  	_ =	shalt  }

</sc_bundles>
